<compile_context>
chip_gen: v7x
topology: tpu7x:2x2x1
jax: 0.10.2.dev20260603
libtpu: 0.0.44.dev20260713+nightly
codegen_flags: <defaults>
</compile_context>

<pallas_src>
import jax
import jax.numpy as jnp
from jax import lax
from jax.experimental import pallas as pl
from jax.experimental.pallas import tpu as pltpu
from jax.experimental.pallas import tpu_sc as plsc

VOCAB = 100000
EMB = 64
CTX = 20
HID = 128
NIDX = 2 * CTX
FLAT = NIDX * EMB

BC = 16384
NB = -(-VOCAB // BC)
PADV = NB * BC

ROWS_PER_W = 8
NWORK = NIDX // ROWS_PER_W


def _sc_gather_body(table_hbm, idx_hbm, out_hbm, idx_v, rows_v, sem):
    wid = lax.axis_index("s") * 2 + lax.axis_index("c")

    @pl.when(wid < NWORK)
    def _():
        base = wid * ROWS_PER_W
        pltpu.sync_copy(idx_hbm.at[pl.ds(base, ROWS_PER_W)],
                        idx_v.at[pl.ds(0, ROWS_PER_W)])
        v = idx_v[pl.ds(0, 16)]
        copies = []
        for i in range(ROWS_PER_W):
            s = v[i]
            s = jnp.minimum(jnp.maximum(s, 0), VOCAB - 1)
            copies.append(pltpu.async_copy(
                table_hbm.at[pl.ds(s, 1)], rows_v.at[pl.ds(i, 1)], sem))
        for cp in copies:
            cp.wait()
        pltpu.sync_copy(rows_v, out_hbm.at[pl.ds(base, ROWS_PER_W)])


def _sc_gather(table, idx):
    mesh = plsc.VectorSubcoreMesh(core_axis_name="c", subcore_axis_name="s")
    k = pl.kernel(
        _sc_gather_body,
        out_type=jax.ShapeDtypeStruct((NIDX, EMB), jnp.float32),
        mesh=mesh,
        scratch_types=[
            pltpu.VMEM((16,), jnp.int32),
            pltpu.VMEM((ROWS_PER_W, EMB), jnp.float32),
            pltpu.SemaphoreType.DMA,
        ],
    )
    return k(table, idx)


def _tc_body(emb_ref, w1_ref, b1_ref, b2_ref, w2_ref, out_ref, hid_ref):
    j = pl.program_id(0)

    @pl.when(j == 0)
    def _init():
        h = b1_ref[...]
        for i in range(NIDX):
            h = h + jnp.dot(emb_ref[pl.ds(i, 1), :], w1_ref[i],
                            preferred_element_type=jnp.float32)
        hid_ref[...] = jnp.maximum(h, 0.0)

    blk = jnp.dot(hid_ref[...], w2_ref[...], preferred_element_type=jnp.float32)
    off = pl.multiple_of(j * BC, BC)
    out_ref[:, pl.ds(off, BC)] = blk

    @pl.when(j == NB - 1)
    def _fin():
        sub = out_ref[:, :VOCAB] + b2_ref[...]
        m = jnp.max(sub)
        ssum = jnp.sum(jnp.exp(sub - m))
        out_ref[:, :VOCAB] = sub - (m + jnp.log(ssum))


def _tc_mlp(emb, W1r, b1, W2, b2):
    out = pl.pallas_call(
        _tc_body,
        grid=(NB,),
        in_specs=[
            pl.BlockSpec((NIDX, EMB), lambda j: (0, 0)),
            pl.BlockSpec((NIDX, EMB, HID), lambda j: (0, 0, 0)),
            pl.BlockSpec((1, HID), lambda j: (0, 0)),
            pl.BlockSpec((1, VOCAB), lambda j: (0, 0)),
            pl.BlockSpec((HID, BC), lambda j: (0, j)),
        ],
        out_specs=pl.BlockSpec((1, PADV), lambda j: (0, 0)),
        out_shape=jax.ShapeDtypeStruct((1, PADV), jnp.float32),
        scratch_shapes=[
            pltpu.VMEM((1, HID), jnp.float32),
        ],
    )(emb, W1r, b1, b2, W2)
    return out[:, :VOCAB]


def kernel(inputs, table, W1, b1, W2, b2):
    emb = _sc_gather(table, inputs)
    W1r = W1.reshape(NIDX, EMB, HID)
    return _tc_mlp(emb, W1r, b1.reshape(1, HID), W2, b2.reshape(1, VOCAB))

# --- scband reference (transcript-rebuilt; emitter-appended) ---
"""Pipeline reference for scband-cbow-40243843563580 (READ-ONLY COPY).

The authoritative reference and input builder live on the scoring server;
editing this copy changes nothing except your own understanding.
"""

import jax, jax.numpy as jnp
import numpy as np

VOCAB = 100000
EMB = 64
CTX = 20
HID = 128


def setup_inputs(seed: int = 0) -> dict:
    key = jax.random.key(seed)
    k1, k2, k3, k4 = jax.random.split(key, 4)
    inputs = jax.random.randint(k1, (2 * CTX,), 0, VOCAB, dtype=jnp.int64 if jax.config.jax_enable_x64 else jnp.int32).astype(jnp.int32)
    table = jax.random.normal(k2, (VOCAB, EMB), dtype=jnp.float32)
    table = table.at[0].set(0.0)  # padding_idx = specials['pad'] = 0
    W1 = jax.random.normal(k3, (CTX * EMB * 2, HID), dtype=jnp.float32) * 0.02
    b1 = jnp.zeros((HID,), dtype=jnp.float32)
    W2 = jax.random.normal(k4, (HID, VOCAB), dtype=jnp.float32) * 0.02
    b2 = jnp.zeros((VOCAB,), dtype=jnp.float32)
    return {"inputs": inputs, "table": table, "W1": W1, "b1": b1, "W2": W2, "b2": b2}


def reference(inputs, table, W1, b1, W2, b2):
    # embedding lookup (gather) then flatten to a single row, matching .view(1, -1)
    embeds = jnp.take(table, inputs, axis=0).reshape(1, -1)
    x = embeds @ W1 + b1
    x = jax.nn.relu(x)
    x = x @ W2 + b2
    log_probs = jax.nn.log_softmax(x, axis=1)
    return log_probs

if __name__ == "__main__":
    import jax
    _d = setup_inputs()
    print(jax.jit(kernel)(*tuple(_d.values())))

</pallas_src>

<mosaic_0001>
#map = affine_map<(d0, d1) -> (0, 0)>
#map1 = affine_map<(d0, d1) -> (0)>
module attributes {stable_mosaic.version = 14 : i64} {
  func.func @_sc_gather_body(%arg0: i32, %arg1: i32, %arg2: memref<100000x64xf32, #tpu.memory_space<hbm>>, %arg3: memref<40xi32, #tpu.memory_space<hbm>>, %arg4: memref<40x64xf32, #tpu.memory_space<hbm>>, %arg5: memref<16xi32, #tpu.memory_space<vmem>>, %arg6: memref<8x64xf32, #tpu.memory_space<vmem>>, %arg7: memref<!tpu.dma_semaphore, #tpu.memory_space<semaphore_mem>>) attributes {dimension_semantics = [#tpu.dimension_semantics<core_parallel>, #tpu.dimension_semantics<subcore_parallel>], iteration_bounds = array<i64: 2, 16>, scalar_prefetch = 0 : i64, scratch_operands = 3 : i64, tpu.core_type = #tpu.core_type<sc_vector_subcore>, window_params = [{transform_indices = #map}, {transform_indices = #map1}, {transform_indices = #map}]} {
    %mul3A = arith.constant 2 : i32
    %mul3A_0 = arith.muli %arg1, %mul3A : i32
    %add3A = arith.addi %mul3A_0, %arg0 : i32
    %lt3A = arith.constant 5 : i32
    %lt3A_1 = arith.cmpi slt, %add3A, %lt3A : i32
    %convert_element_type3A = arith.extui %lt3A_1 : i1 to i32
    %cond3A = arith.constant 0 : i32
    %cond3A_2 = arith.cmpi ne, %convert_element_type3A, %cond3A : i32
    scf.if %cond3A_2 {
      %mul3A_3 = arith.constant 8 : i32
      %mul3A_4 = arith.muli %add3A, %mul3A_3 : i32
      "tpu.region"() ({
        %run_scoped3A = tpu.sem_alloc : memref<!tpu.dma_semaphore, #tpu.memory_space<semaphore_mem>>
        %dma_start3A_209 = arith.constant 0 : i32
        %dma_start3A_210 = tpu.memref_slice %arg5[%dma_start3A_209] : memref<16xi32, #tpu.memory_space<vmem>> -> memref<8xi32, #tpu.memory_space<vmem>>
        %dma_start3A_211 = tpu.memref_slice %arg3[%mul3A_4] : memref<40xi32, #tpu.memory_space<hbm>> -> memref<8xi32, #tpu.memory_space<hbm>>
        %dma_start3A_212 = arith.constant 0 : i32
        %dma_start3A_213 = tpu.memref_slice %arg5[%dma_start3A_212] : memref<16xi32, #tpu.memory_space<vmem>> -> memref<8xi32, #tpu.memory_space<vmem>>
        %dma_start3A_214 = tpu.memref_slice %arg3[%mul3A_4] : memref<40xi32, #tpu.memory_space<hbm>> -> memref<8xi32, #tpu.memory_space<hbm>>
        tpu.enqueue_dma source(%dma_start3A_214 : memref<8xi32, #tpu.memory_space<hbm>>) target(%dma_start3A_213 : memref<8xi32, #tpu.memory_space<vmem>>) target_semaphore(%run_scoped3A : memref<!tpu.dma_semaphore, #tpu.memory_space<semaphore_mem>>)
        %dma_wait3A_215 = arith.constant 0 : i32
        %dma_wait3A_216 = tpu.memref_slice %arg5[%dma_wait3A_215] : memref<16xi32, #tpu.memory_space<vmem>> -> memref<8xi32, #tpu.memory_space<vmem>>
        %dma_wait3A_217 = tpu.memref_slice %arg3[%mul3A_4] : memref<40xi32, #tpu.memory_space<hbm>> -> memref<8xi32, #tpu.memory_space<hbm>>
        %dma_wait3A_218 = arith.constant 0 : i32
        %dma_wait3A_219 = tpu.memref_slice %arg5[%dma_wait3A_218] : memref<16xi32, #tpu.memory_space<vmem>> -> memref<8xi32, #tpu.memory_space<vmem>>
        %dma_wait3A_220 = tpu.memref_slice %arg3[%mul3A_4] : memref<40xi32, #tpu.memory_space<hbm>> -> memref<8xi32, #tpu.memory_space<hbm>>
        tpu.wait_dma2 semaphore(%run_scoped3A : memref<!tpu.dma_semaphore, #tpu.memory_space<semaphore_mem>>) src(%dma_wait3A_220 : memref<8xi32, #tpu.memory_space<hbm>>) dst(%dma_wait3A_219 : memref<8xi32, #tpu.memory_space<vmem>>)
        tpu.yield
      }) : () -> ()
      %get3A = arith.constant 0 : index
      %get3A_5 = tpu.vector_load %arg5[%get3A] {strides = array<i32>} : memref<16xi32, #tpu.memory_space<vmem>>, vector<16xi32>,
      %get3A_6 = vector.shape_cast %get3A_5 : vector<16xi32> to vector<16xi32>
      %slice3A = vector.extract_strided_slice %get3A_6 {offsets = [0], sizes = [1], strides = [1]} : vector<16xi32> to vector<1xi32>
      %squeeze3A = vector.extract %slice3A[0] : i32 from vector<1xi32>
      %max3A = arith.constant 0 : i32
      %max3A_7 = arith.maxsi %squeeze3A, %max3A : i32
      %min3A = arith.constant 99999 : i32
      %min3A_8 = arith.minsi %max3A_7, %min3A : i32
      %dma_start3A = arith.constant 0 : i32
      %dma_start3A_9 = arith.constant 0 : i32
      %dma_start3A_10 = tpu.memref_slice %arg6[%dma_start3A, %dma_start3A_9] : memref<8x64xf32, #tpu.memory_space<vmem>> -> memref<1x64xf32, #tpu.memory_space<vmem>>
      %dma_start3A_11 = arith.constant 0 : i32
      %dma_start3A_12 = tpu.memref_slice %arg2[%min3A_8, %dma_start3A_11] : memref<100000x64xf32, #tpu.memory_space<hbm>> -> memref<1x64xf32, #tpu.memory_space<hbm>>
      %dma_start3A_13 = arith.constant 0 : i32
      %dma_start3A_14 = arith.constant 0 : i32
      %dma_start3A_15 = tpu.memref_slice %arg6[%dma_start3A_13, %dma_start3A_14] : memref<8x64xf32, #tpu.memory_space<vmem>> -> memref<1x64xf32, #tpu.memory_space<vmem>>
      %dma_start3A_16 = arith.constant 0 : i32
      %dma_start3A_17 = tpu.memref_slice %arg2[%min3A_8, %dma_start3A_16] : memref<100000x64xf32, #tpu.memory_space<hbm>> -> memref<1x64xf32, #tpu.memory_space<hbm>>
      tpu.enqueue_dma source(%dma_start3A_17 : memref<1x64xf32, #tpu.memory_space<hbm>>) target(%dma_start3A_15 : memref<1x64xf32, #tpu.memory_space<vmem>>) target_semaphore(%arg7 : memref<!tpu.dma_semaphore, #tpu.memory_space<semaphore_mem>>)
      %slice3A_18 = vector.extract_strided_slice %get3A_6 {offsets = [1], sizes = [1], strides = [1]} : vector<16xi32> to vector<1xi32>
      %squeeze3A_19 = vector.extract %slice3A_18[0] : i32 from vector<1xi32>
      %max3A_20 = arith.constant 0 : i32
      %max3A_21 = arith.maxsi %squeeze3A_19, %max3A_20 : i32
      %min3A_22 = arith.constant 99999 : i32
      %min3A_23 = arith.minsi %max3A_21, %min3A_22 : i32
      %dma_start3A_24 = arith.constant 1 : i32
      %dma_start3A_25 = arith.constant 0 : i32
      %dma_start3A_26 = tpu.memref_slice %arg6[%dma_start3A_24, %dma_start3A_25] : memref<8x64xf32, #tpu.memory_space<vmem>> -> memref<1x64xf32, #tpu.memory_space<vmem>>
      %dma_start3A_27 = arith.constant 0 : i32
      %dma_start3A_28 = tpu.memref_slice %arg2[%min3A_23, %dma_start3A_27] : memref<100000x64xf32, #tpu.memory_space<hbm>> -> memref<1x64xf32, #tpu.memory_space<hbm>>
      %dma_start3A_29 = arith.constant 1 : i32
      %dma_start3A_30 = arith.constant 0 : i32
      %dma_start3A_31 = tpu.memref_slice %arg6[%dma_start3A_29, %dma_start3A_30] : memref<8x64xf32, #tpu.memory_space<vmem>> -> memref<1x64xf32, #tpu.memory_space<vmem>>
      %dma_start3A_32 = arith.constant 0 : i32
      %dma_start3A_33 = tpu.memref_slice %arg2[%min3A_23, %dma_start3A_32] : memref<100000x64xf32, #tpu.memory_space<hbm>> -> memref<1x64xf32, #tpu.memory_space<hbm>>
      tpu.enqueue_dma source(%dma_start3A_33 : memref<1x64xf32, #tpu.memory_space<hbm>>) target(%dma_start3A_31 : memref<1x64xf32, #tpu.memory_space<vmem>>) target_semaphore(%arg7 : memref<!tpu.dma_semaphore, #tpu.memory_space<semaphore_mem>>)
      %slice3A_34 = vector.extract_strided_slice %get3A_6 {offsets = [2], sizes = [1], strides = [1]} : vector<16xi32> to vector<1xi32>
      %squeeze3A_35 = vector.extract %slice3A_34[0] : i32 from vector<1xi32>
      %max3A_36 = arith.constant 0 : i32
      %max3A_37 = arith.maxsi %squeeze3A_35, %max3A_36 : i32
      %min3A_38 = arith.constant 99999 : i32
      %min3A_39 = arith.minsi %max3A_37, %min3A_38 : i32
      %dma_start3A_40 = arith.constant 2 : i32
      %dma_start3A_41 = arith.constant 0 : i32
      %dma_start3A_42 = tpu.memref_slice %arg6[%dma_start3A_40, %dma_start3A_41] : memref<8x64xf32, #tpu.memory_space<vmem>> -> memref<1x64xf32, #tpu.memory_space<vmem>>
      %dma_start3A_43 = arith.constant 0 : i32
      %dma_start3A_44 = tpu.memref_slice %arg2[%min3A_39, %dma_start3A_43] : memref<100000x64xf32, #tpu.memory_space<hbm>> -> memref<1x64xf32, #tpu.memory_space<hbm>>
      %dma_start3A_45 = arith.constant 2 : i32
      %dma_start3A_46 = arith.constant 0 : i32
      %dma_start3A_47 = tpu.memref_slice %arg6[%dma_start3A_45, %dma_start3A_46] : memref<8x64xf32, #tpu.memory_space<vmem>> -> memref<1x64xf32, #tpu.memory_space<vmem>>
      %dma_start3A_48 = arith.constant 0 : i32
      %dma_start3A_49 = tpu.memref_slice %arg2[%min3A_39, %dma_start3A_48] : memref<100000x64xf32, #tpu.memory_space<hbm>> -> memref<1x64xf32, #tpu.memory_space<hbm>>
      tpu.enqueue_dma source(%dma_start3A_49 : memref<1x64xf32, #tpu.memory_space<hbm>>) target(%dma_start3A_47 : memref<1x64xf32, #tpu.memory_space<vmem>>) target_semaphore(%arg7 : memref<!tpu.dma_semaphore, #tpu.memory_space<semaphore_mem>>)
      %slice3A_50 = vector.extract_strided_slice %get3A_6 {offsets = [3], sizes = [1], strides = [1]} : vector<16xi32> to vector<1xi32>
      %squeeze3A_51 = vector.extract %slice3A_50[0] : i32 from vector<1xi32>
      %max3A_52 = arith.constant 0 : i32
      %max3A_53 = arith.maxsi %squeeze3A_51, %max3A_52 : i32
      %min3A_54 = arith.constant 99999 : i32
      %min3A_55 = arith.minsi %max3A_53, %min3A_54 : i32
      %dma_start3A_56 = arith.constant 3 : i32
      %dma_start3A_57 = arith.constant 0 : i32
      %dma_start3A_58 = tpu.memref_slice %arg6[%dma_start3A_56, %dma_start3A_57] : memref<8x64xf32, #tpu.memory_space<vmem>> -> memref<1x64xf32, #tpu.memory_space<vmem>>
      %dma_start3A_59 = arith.constant 0 : i32
      %dma_start3A_60 = tpu.memref_slice %arg2[%min3A_55, %dma_start3A_59] : memref<100000x64xf32, #tpu.memory_space<hbm>> -> memref<1x64xf32, #tpu.memory_space<hbm>>
      %dma_start3A_61 = arith.constant 3 : i32
      %dma_start3A_62 = arith.constant 0 : i32
      %dma_start3A_63 = tpu.memref_slice %arg6[%dma_start3A_61, %dma_start3A_62] : memref<8x64xf32, #tpu.memory_space<vmem>> -> memref<1x64xf32, #tpu.memory_space<vmem>>
      %dma_start3A_64 = arith.constant 0 : i32
      %dma_start3A_65 = tpu.memref_slice %arg2[%min3A_55, %dma_start3A_64] : memref<100000x64xf32, #tpu.memory_space<hbm>> -> memref<1x64xf32, #tpu.memory_space<hbm>>
      tpu.enqueue_dma source(%dma_start3A_65 : memref<1x64xf32, #tpu.memory_space<hbm>>) target(%dma_start3A_63 : memref<1x64xf32, #tpu.memory_space<vmem>>) target_semaphore(%arg7 : memref<!tpu.dma_semaphore, #tpu.memory_space<semaphore_mem>>)
      %slice3A_66 = vector.extract_strided_slice %get3A_6 {offsets = [4], sizes = [1], strides = [1]} : vector<16xi32> to vector<1xi32>
      %squeeze3A_67 = vector.extract %slice3A_66[0] : i32 from vector<1xi32>
      %max3A_68 = arith.constant 0 : i32
      %max3A_69 = arith.maxsi %squeeze3A_67, %max3A_68 : i32
      %min3A_70 = arith.constant 99999 : i32
      %min3A_71 = arith.minsi %max3A_69, %min3A_70 : i32
      %dma_start3A_72 = arith.constant 4 : i32
      %dma_start3A_73 = arith.constant 0 : i32
      %dma_start3A_74 = tpu.memref_slice %arg6[%dma_start3A_72, %dma_start3A_73] : memref<8x64xf32, #tpu.memory_space<vmem>> -> memref<1x64xf32, #tpu.memory_space<vmem>>
      %dma_start3A_75 = arith.constant 0 : i32
      %dma_start3A_76 = tpu.memref_slice %arg2[%min3A_71, %dma_start3A_75] : memref<100000x64xf32, #tpu.memory_space<hbm>> -> memref<1x64xf32, #tpu.memory_space<hbm>>
      %dma_start3A_77 = arith.constant 4 : i32
      %dma_start3A_78 = arith.constant 0 : i32
      %dma_start3A_79 = tpu.memref_slice %arg6[%dma_start3A_77, %dma_start3A_78] : memref<8x64xf32, #tpu.memory_space<vmem>> -> memref<1x64xf32, #tpu.memory_space<vmem>>
      %dma_start3A_80 = arith.constant 0 : i32
      %dma_start3A_81 = tpu.memref_slice %arg2[%min3A_71, %dma_start3A_80] : memref<100000x64xf32, #tpu.memory_space<hbm>> -> memref<1x64xf32, #tpu.memory_space<hbm>>
      tpu.enqueue_dma source(%dma_start3A_81 : memref<1x64xf32, #tpu.memory_space<hbm>>) target(%dma_start3A_79 : memref<1x64xf32, #tpu.memory_space<vmem>>) target_semaphore(%arg7 : memref<!tpu.dma_semaphore, #tpu.memory_space<semaphore_mem>>)
      %slice3A_82 = vector.extract_strided_slice %get3A_6 {offsets = [5], sizes = [1], strides = [1]} : vector<16xi32> to vector<1xi32>
      %squeeze3A_83 = vector.extract %slice3A_82[0] : i32 from vector<1xi32>
      %max3A_84 = arith.constant 0 : i32
      %max3A_85 = arith.maxsi %squeeze3A_83, %max3A_84 : i32
      %min3A_86 = arith.constant 99999 : i32
      %min3A_87 = arith.minsi %max3A_85, %min3A_86 : i32
      %dma_start3A_88 = arith.constant 5 : i32
      %dma_start3A_89 = arith.constant 0 : i32
      %dma_start3A_90 = tpu.memref_slice %arg6[%dma_start3A_88, %dma_start3A_89] : memref<8x64xf32, #tpu.memory_space<vmem>> -> memref<1x64xf32, #tpu.memory_space<vmem>>
      %dma_start3A_91 = arith.constant 0 : i32
      %dma_start3A_92 = tpu.memref_slice %arg2[%min3A_87, %dma_start3A_91] : memref<100000x64xf32, #tpu.memory_space<hbm>> -> memref<1x64xf32, #tpu.memory_space<hbm>>
      %dma_start3A_93 = arith.constant 5 : i32
      %dma_start3A_94 = arith.constant 0 : i32
      %dma_start3A_95 = tpu.memref_slice %arg6[%dma_start3A_93, %dma_start3A_94] : memref<8x64xf32, #tpu.memory_space<vmem>> -> memref<1x64xf32, #tpu.memory_space<vmem>>
      %dma_start3A_96 = arith.constant 0 : i32
      %dma_start3A_97 = tpu.memref_slice %arg2[%min3A_87, %dma_start3A_96] : memref<100000x64xf32, #tpu.memory_space<hbm>> -> memref<1x64xf32, #tpu.memory_space<hbm>>
      tpu.enqueue_dma source(%dma_start3A_97 : memref<1x64xf32, #tpu.memory_space<hbm>>) target(%dma_start3A_95 : memref<1x64xf32, #tpu.memory_space<vmem>>) target_semaphore(%arg7 : memref<!tpu.dma_semaphore, #tpu.memory_space<semaphore_mem>>)
      %slice3A_98 = vector.extract_strided_slice %get3A_6 {offsets = [6], sizes = [1], strides = [1]} : vector<16xi32> to vector<1xi32>
      %squeeze3A_99 = vector.extract %slice3A_98[0] : i32 from vector<1xi32>
      %max3A_100 = arith.constant 0 : i32
      %max3A_101 = arith.maxsi %squeeze3A_99, %max3A_100 : i32
      %min3A_102 = arith.constant 99999 : i32
      %min3A_103 = arith.minsi %max3A_101, %min3A_102 : i32
      %dma_start3A_104 = arith.constant 6 : i32
      %dma_start3A_105 = arith.constant 0 : i32
      %dma_start3A_106 = tpu.memref_slice %arg6[%dma_start3A_104, %dma_start3A_105] : memref<8x64xf32, #tpu.memory_space<vmem>> -> memref<1x64xf32, #tpu.memory_space<vmem>>
      %dma_start3A_107 = arith.constant 0 : i32
      %dma_start3A_108 = tpu.memref_slice %arg2[%min3A_103, %dma_start3A_107] : memref<100000x64xf32, #tpu.memory_space<hbm>> -> memref<1x64xf32, #tpu.memory_space<hbm>>
      %dma_start3A_109 = arith.constant 6 : i32
      %dma_start3A_110 = arith.constant 0 : i32
      %dma_start3A_111 = tpu.memref_slice %arg6[%dma_start3A_109, %dma_start3A_110] : memref<8x64xf32, #tpu.memory_space<vmem>> -> memref<1x64xf32, #tpu.memory_space<vmem>>
      %dma_start3A_112 = arith.constant 0 : i32
      %dma_start3A_113 = tpu.memref_slice %arg2[%min3A_103, %dma_start3A_112] : memref<100000x64xf32, #tpu.memory_space<hbm>> -> memref<1x64xf32, #tpu.memory_space<hbm>>
      tpu.enqueue_dma source(%dma_start3A_113 : memref<1x64xf32, #tpu.memory_space<hbm>>) target(%dma_start3A_111 : memref<1x64xf32, #tpu.memory_space<vmem>>) target_semaphore(%arg7 : memref<!tpu.dma_semaphore, #tpu.memory_space<semaphore_mem>>)
      %slice3A_114 = vector.extract_strided_slice %get3A_6 {offsets = [7], sizes = [1], strides = [1]} : vector<16xi32> to vector<1xi32>
      %squeeze3A_115 = vector.extract %slice3A_114[0] : i32 from vector<1xi32>
      %max3A_116 = arith.constant 0 : i32
      %max3A_117 = arith.maxsi %squeeze3A_115, %max3A_116 : i32
      %min3A_118 = arith.constant 99999 : i32
      %min3A_119 = arith.minsi %max3A_117, %min3A_118 : i32
      %dma_start3A_120 = arith.constant 7 : i32
      %dma_start3A_121 = arith.constant 0 : i32
      %dma_start3A_122 = tpu.memref_slice %arg6[%dma_start3A_120, %dma_start3A_121] : memref<8x64xf32, #tpu.memory_space<vmem>> -> memref<1x64xf32, #tpu.memory_space<vmem>>
      %dma_start3A_123 = arith.constant 0 : i32
      %dma_start3A_124 = tpu.memref_slice %arg2[%min3A_119, %dma_start3A_123] : memref<100000x64xf32, #tpu.memory_space<hbm>> -> memref<1x64xf32, #tpu.memory_space<hbm>>
      %dma_start3A_125 = arith.constant 7 : i32
      %dma_start3A_126 = arith.constant 0 : i32
      %dma_start3A_127 = tpu.memref_slice %arg6[%dma_start3A_125, %dma_start3A_126] : memref<8x64xf32, #tpu.memory_space<vmem>> -> memref<1x64xf32, #tpu.memory_space<vmem>>
      %dma_start3A_128 = arith.constant 0 : i32
      %dma_start3A_129 = tpu.memref_slice %arg2[%min3A_119, %dma_start3A_128] : memref<100000x64xf32, #tpu.memory_space<hbm>> -> memref<1x64xf32, #tpu.memory_space<hbm>>
      tpu.enqueue_dma source(%dma_start3A_129 : memref<1x64xf32, #tpu.memory_space<hbm>>) target(%dma_start3A_127 : memref<1x64xf32, #tpu.memory_space<vmem>>) target_semaphore(%arg7 : memref<!tpu.dma_semaphore, #tpu.memory_space<semaphore_mem>>)
      %dma_wait3A = arith.constant 0 : i32
      %dma_wait3A_130 = arith.constant 0 : i32
      %dma_wait3A_131 = tpu.memref_slice %arg6[%dma_wait3A, %dma_wait3A_130] : memref<8x64xf32, #tpu.memory_space<vmem>> -> memref<1x64xf32, #tpu.memory_space<vmem>>
      %dma_wait3A_132 = arith.constant 0 : i32
      %dma_wait3A_133 = tpu.memref_slice %arg2[%min3A_8, %dma_wait3A_132] : memref<100000x64xf32, #tpu.memory_space<hbm>> -> memref<1x64xf32, #tpu.memory_space<hbm>>
      %dma_wait3A_134 = arith.constant 0 : i32
      %dma_wait3A_135 = arith.constant 0 : i32
      %dma_wait3A_136 = tpu.memref_slice %arg6[%dma_wait3A_134, %dma_wait3A_135] : memref<8x64xf32, #tpu.memory_space<vmem>> -> memref<1x64xf32, #tpu.memory_space<vmem>>
      %dma_wait3A_137 = arith.constant 0 : i32
      %dma_wait3A_138 = tpu.memref_slice %arg2[%min3A_8, %dma_wait3A_137] : memref<100000x64xf32, #tpu.memory_space<hbm>> -> memref<1x64xf32, #tpu.memory_space<hbm>>
      tpu.wait_dma2 semaphore(%arg7 : memref<!tpu.dma_semaphore, #tpu.memory_space<semaphore_mem>>) src(%dma_wait3A_138 : memref<1x64xf32, #tpu.memory_space<hbm>>) dst(%dma_wait3A_136 : memref<1x64xf32, #tpu.memory_space<vmem>>)
      %dma_wait3A_139 = arith.constant 1 : i32
      %dma_wait3A_140 = arith.constant 0 : i32
      %dma_wait3A_141 = tpu.memref_slice %arg6[%dma_wait3A_139, %dma_wait3A_140] : memref<8x64xf32, #tpu.memory_space<vmem>> -> memref<1x64xf32, #tpu.memory_space<vmem>>
      %dma_wait3A_142 = arith.constant 0 : i32
      %dma_wait3A_143 = tpu.memref_slice %arg2[%min3A_23, %dma_wait3A_142] : memref<100000x64xf32, #tpu.memory_space<hbm>> -> memref<1x64xf32, #tpu.memory_space<hbm>>
      %dma_wait3A_144 = arith.constant 1 : i32
      %dma_wait3A_145 = arith.constant 0 : i32
      %dma_wait3A_146 = tpu.memref_slice %arg6[%dma_wait3A_144, %dma_wait3A_145] : memref<8x64xf32, #tpu.memory_space<vmem>> -> memref<1x64xf32, #tpu.memory_space<vmem>>
      %dma_wait3A_147 = arith.constant 0 : i32
      %dma_wait3A_148 = tpu.memref_slice %arg2[%min3A_23, %dma_wait3A_147] : memref<100000x64xf32, #tpu.memory_space<hbm>> -> memref<1x64xf32, #tpu.memory_space<hbm>>
      tpu.wait_dma2 semaphore(%arg7 : memref<!tpu.dma_semaphore, #tpu.memory_space<semaphore_mem>>) src(%dma_wait3A_148 : memref<1x64xf32, #tpu.memory_space<hbm>>) dst(%dma_wait3A_146 : memref<1x64xf32, #tpu.memory_space<vmem>>)
      %dma_wait3A_149 = arith.constant 2 : i32
      %dma_wait3A_150 = arith.constant 0 : i32
      %dma_wait3A_151 = tpu.memref_slice %arg6[%dma_wait3A_149, %dma_wait3A_150] : memref<8x64xf32, #tpu.memory_space<vmem>> -> memref<1x64xf32, #tpu.memory_space<vmem>>
      %dma_wait3A_152 = arith.constant 0 : i32
      %dma_wait3A_153 = tpu.memref_slice %arg2[%min3A_39, %dma_wait3A_152] : memref<100000x64xf32, #tpu.memory_space<hbm>> -> memref<1x64xf32, #tpu.memory_space<hbm>>
      %dma_wait3A_154 = arith.constant 2 : i32
      %dma_wait3A_155 = arith.constant 0 : i32
      %dma_wait3A_156 = tpu.memref_slice %arg6[%dma_wait3A_154, %dma_wait3A_155] : memref<8x64xf32, #tpu.memory_space<vmem>> -> memref<1x64xf32, #tpu.memory_space<vmem>>
      %dma_wait3A_157 = arith.constant 0 : i32
      %dma_wait3A_158 = tpu.memref_slice %arg2[%min3A_39, %dma_wait3A_157] : memref<100000x64xf32, #tpu.memory_space<hbm>> -> memref<1x64xf32, #tpu.memory_space<hbm>>
      tpu.wait_dma2 semaphore(%arg7 : memref<!tpu.dma_semaphore, #tpu.memory_space<semaphore_mem>>) src(%dma_wait3A_158 : memref<1x64xf32, #tpu.memory_space<hbm>>) dst(%dma_wait3A_156 : memref<1x64xf32, #tpu.memory_space<vmem>>)
      %dma_wait3A_159 = arith.constant 3 : i32
      %dma_wait3A_160 = arith.constant 0 : i32
      %dma_wait3A_161 = tpu.memref_slice %arg6[%dma_wait3A_159, %dma_wait3A_160] : memref<8x64xf32, #tpu.memory_space<vmem>> -> memref<1x64xf32, #tpu.memory_space<vmem>>
      %dma_wait3A_162 = arith.constant 0 : i32
      %dma_wait3A_163 = tpu.memref_slice %arg2[%min3A_55, %dma_wait3A_162] : memref<100000x64xf32, #tpu.memory_space<hbm>> -> memref<1x64xf32, #tpu.memory_space<hbm>>
      %dma_wait3A_164 = arith.constant 3 : i32
      %dma_wait3A_165 = arith.constant 0 : i32
      %dma_wait3A_166 = tpu.memref_slice %arg6[%dma_wait3A_164, %dma_wait3A_165] : memref<8x64xf32, #tpu.memory_space<vmem>> -> memref<1x64xf32, #tpu.memory_space<vmem>>
      %dma_wait3A_167 = arith.constant 0 : i32
      %dma_wait3A_168 = tpu.memref_slice %arg2[%min3A_55, %dma_wait3A_167] : memref<100000x64xf32, #tpu.memory_space<hbm>> -> memref<1x64xf32, #tpu.memory_space<hbm>>
      tpu.wait_dma2 semaphore(%arg7 : memref<!tpu.dma_semaphore, #tpu.memory_space<semaphore_mem>>) src(%dma_wait3A_168 : memref<1x64xf32, #tpu.memory_space<hbm>>) dst(%dma_wait3A_166 : memref<1x64xf32, #tpu.memory_space<vmem>>)
      %dma_wait3A_169 = arith.constant 4 : i32
      %dma_wait3A_170 = arith.constant 0 : i32
      %dma_wait3A_171 = tpu.memref_slice %arg6[%dma_wait3A_169, %dma_wait3A_170] : memref<8x64xf32, #tpu.memory_space<vmem>> -> memref<1x64xf32, #tpu.memory_space<vmem>>
      %dma_wait3A_172 = arith.constant 0 : i32
      %dma_wait3A_173 = tpu.memref_slice %arg2[%min3A_71, %dma_wait3A_172] : memref<100000x64xf32, #tpu.memory_space<hbm>> -> memref<1x64xf32, #tpu.memory_space<hbm>>
      %dma_wait3A_174 = arith.constant 4 : i32
      %dma_wait3A_175 = arith.constant 0 : i32
      %dma_wait3A_176 = tpu.memref_slice %arg6[%dma_wait3A_174, %dma_wait3A_175] : memref<8x64xf32, #tpu.memory_space<vmem>> -> memref<1x64xf32, #tpu.memory_space<vmem>>
      %dma_wait3A_177 = arith.constant 0 : i32
      %dma_wait3A_178 = tpu.memref_slice %arg2[%min3A_71, %dma_wait3A_177] : memref<100000x64xf32, #tpu.memory_space<hbm>> -> memref<1x64xf32, #tpu.memory_space<hbm>>
      tpu.wait_dma2 semaphore(%arg7 : memref<!tpu.dma_semaphore, #tpu.memory_space<semaphore_mem>>) src(%dma_wait3A_178 : memref<1x64xf32, #tpu.memory_space<hbm>>) dst(%dma_wait3A_176 : memref<1x64xf32, #tpu.memory_space<vmem>>)
      %dma_wait3A_179 = arith.constant 5 : i32
      %dma_wait3A_180 = arith.constant 0 : i32
      %dma_wait3A_181 = tpu.memref_slice %arg6[%dma_wait3A_179, %dma_wait3A_180] : memref<8x64xf32, #tpu.memory_space<vmem>> -> memref<1x64xf32, #tpu.memory_space<vmem>>
      %dma_wait3A_182 = arith.constant 0 : i32
      %dma_wait3A_183 = tpu.memref_slice %arg2[%min3A_87, %dma_wait3A_182] : memref<100000x64xf32, #tpu.memory_space<hbm>> -> memref<1x64xf32, #tpu.memory_space<hbm>>
      %dma_wait3A_184 = arith.constant 5 : i32
      %dma_wait3A_185 = arith.constant 0 : i32
      %dma_wait3A_186 = tpu.memref_slice %arg6[%dma_wait3A_184, %dma_wait3A_185] : memref<8x64xf32, #tpu.memory_space<vmem>> -> memref<1x64xf32, #tpu.memory_space<vmem>>
      %dma_wait3A_187 = arith.constant 0 : i32
      %dma_wait3A_188 = tpu.memref_slice %arg2[%min3A_87, %dma_wait3A_187] : memref<100000x64xf32, #tpu.memory_space<hbm>> -> memref<1x64xf32, #tpu.memory_space<hbm>>
      tpu.wait_dma2 semaphore(%arg7 : memref<!tpu.dma_semaphore, #tpu.memory_space<semaphore_mem>>) src(%dma_wait3A_188 : memref<1x64xf32, #tpu.memory_space<hbm>>) dst(%dma_wait3A_186 : memref<1x64xf32, #tpu.memory_space<vmem>>)
      %dma_wait3A_189 = arith.constant 6 : i32
      %dma_wait3A_190 = arith.constant 0 : i32
      %dma_wait3A_191 = tpu.memref_slice %arg6[%dma_wait3A_189, %dma_wait3A_190] : memref<8x64xf32, #tpu.memory_space<vmem>> -> memref<1x64xf32, #tpu.memory_space<vmem>>
      %dma_wait3A_192 = arith.constant 0 : i32
      %dma_wait3A_193 = tpu.memref_slice %arg2[%min3A_103, %dma_wait3A_192] : memref<100000x64xf32, #tpu.memory_space<hbm>> -> memref<1x64xf32, #tpu.memory_space<hbm>>
      %dma_wait3A_194 = arith.constant 6 : i32
      %dma_wait3A_195 = arith.constant 0 : i32
      %dma_wait3A_196 = tpu.memref_slice %arg6[%dma_wait3A_194, %dma_wait3A_195] : memref<8x64xf32, #tpu.memory_space<vmem>> -> memref<1x64xf32, #tpu.memory_space<vmem>>
      %dma_wait3A_197 = arith.constant 0 : i32
      %dma_wait3A_198 = tpu.memref_slice %arg2[%min3A_103, %dma_wait3A_197] : memref<100000x64xf32, #tpu.memory_space<hbm>> -> memref<1x64xf32, #tpu.memory_space<hbm>>
      tpu.wait_dma2 semaphore(%arg7 : memref<!tpu.dma_semaphore, #tpu.memory_space<semaphore_mem>>) src(%dma_wait3A_198 : memref<1x64xf32, #tpu.memory_space<hbm>>) dst(%dma_wait3A_196 : memref<1x64xf32, #tpu.memory_space<vmem>>)
      %dma_wait3A_199 = arith.constant 7 : i32
      %dma_wait3A_200 = arith.constant 0 : i32
      %dma_wait3A_201 = tpu.memref_slice %arg6[%dma_wait3A_199, %dma_wait3A_200] : memref<8x64xf32, #tpu.memory_space<vmem>> -> memref<1x64xf32, #tpu.memory_space<vmem>>
      %dma_wait3A_202 = arith.constant 0 : i32
      %dma_wait3A_203 = tpu.memref_slice %arg2[%min3A_119, %dma_wait3A_202] : memref<100000x64xf32, #tpu.memory_space<hbm>> -> memref<1x64xf32, #tpu.memory_space<hbm>>
      %dma_wait3A_204 = arith.constant 7 : i32
      %dma_wait3A_205 = arith.constant 0 : i32
      %dma_wait3A_206 = tpu.memref_slice %arg6[%dma_wait3A_204, %dma_wait3A_205] : memref<8x64xf32, #tpu.memory_space<vmem>> -> memref<1x64xf32, #tpu.memory_space<vmem>>
      %dma_wait3A_207 = arith.constant 0 : i32
      %dma_wait3A_208 = tpu.memref_slice %arg2[%min3A_119, %dma_wait3A_207] : memref<100000x64xf32, #tpu.memory_space<hbm>> -> memref<1x64xf32, #tpu.memory_space<hbm>>
      tpu.wait_dma2 semaphore(%arg7 : memref<!tpu.dma_semaphore, #tpu.memory_space<semaphore_mem>>) src(%dma_wait3A_208 : memref<1x64xf32, #tpu.memory_space<hbm>>) dst(%dma_wait3A_206 : memref<1x64xf32, #tpu.memory_space<vmem>>)
      "tpu.region"() ({
        %run_scoped3A = tpu.sem_alloc : memref<!tpu.dma_semaphore, #tpu.memory_space<semaphore_mem>>
        %dma_start3A_209 = arith.constant 0 : i32
        %dma_start3A_210 = tpu.memref_slice %arg4[%mul3A_4, %dma_start3A_209] : memref<40x64xf32, #tpu.memory_space<hbm>> -> memref<8x64xf32, #tpu.memory_space<hbm>>
        %dma_start3A_211 = arith.constant 0 : i32
        %dma_start3A_212 = tpu.memref_slice %arg4[%mul3A_4, %dma_start3A_211] : memref<40x64xf32, #tpu.memory_space<hbm>> -> memref<8x64xf32, #tpu.memory_space<hbm>>
        tpu.enqueue_dma source(%arg6 : memref<8x64xf32, #tpu.memory_space<vmem>>) target(%dma_start3A_212 : memref<8x64xf32, #tpu.memory_space<hbm>>) target_semaphore(%run_scoped3A : memref<!tpu.dma_semaphore, #tpu.memory_space<semaphore_mem>>)
        %dma_wait3A_213 = arith.constant 0 : i32
        %dma_wait3A_214 = tpu.memref_slice %arg4[%mul3A_4, %dma_wait3A_213] : memref<40x64xf32, #tpu.memory_space<hbm>> -> memref<8x64xf32, #tpu.memory_space<hbm>>
        %dma_wait3A_215 = arith.constant 0 : i32
        %dma_wait3A_216 = tpu.memref_slice %arg4[%mul3A_4, %dma_wait3A_215] : memref<40x64xf32, #tpu.memory_space<hbm>> -> memref<8x64xf32, #tpu.memory_space<hbm>>
        tpu.wait_dma2 semaphore(%run_scoped3A : memref<!tpu.dma_semaphore, #tpu.memory_space<semaphore_mem>>) src(%arg6 : memref<8x64xf32, #tpu.memory_space<vmem>>) dst(%dma_wait3A_216 : memref<8x64xf32, #tpu.memory_space<hbm>>)
        tpu.yield
      }) : () -> ()
    } else {
    }
    return
  }
}

module attributes {stable_mosaic.version = 14 : i64} {
  func.func @_tc_body(%arg0: i32, %arg1: memref<40x64xf32, #tpu.memory_space<vmem>>, %arg2: memref<40x64x128xf32, #tpu.memory_space<vmem>>, %arg3: memref<1x128xf32, #tpu.memory_space<vmem>>, %arg4: memref<1x100000xf32, #tpu.memory_space<vmem>>, %arg5: memref<128x16384xf32, #tpu.memory_space<vmem>>, %arg6: memref<1x114688xf32, #tpu.memory_space<vmem>>, %arg7: memref<1x128xf32, #tpu.memory_space<vmem>>) attributes {dimension_semantics = [#tpu.dimension_semantics<arbitrary>], iteration_bounds = array<i64: 7>, scalar_prefetch = 0 : i64, scratch_operands = 1 : i64, tpu.core_type = #tpu.core_type<tc>, window_params = [{pipeline_mode = #tpu.pipeline_mode<synchronous>, transform_indices = @transform_0, window_bounds = array<i64: 40, 64>}, {pipeline_mode = #tpu.pipeline_mode<synchronous>, transform_indices = @transform_1, window_bounds = array<i64: 40, 64, 128>}, {pipeline_mode = #tpu.pipeline_mode<synchronous>, transform_indices = @transform_2, window_bounds = array<i64: 1, 128>}, {pipeline_mode = #tpu.pipeline_mode<synchronous>, transform_indices = @transform_3, window_bounds = array<i64: 1, 100000>}, {transform_indices = @transform_4, window_bounds = array<i64: 128, 16384>}, {pipeline_mode = #tpu.pipeline_mode<synchronous>, transform_indices = @transform_5, window_bounds = array<i64: 1, 114688>}]} {
    %eq3A = arith.constant 0 : i32
    %eq3A_0 = arith.cmpi eq, %arg0, %eq3A : i32
    %convert_element_type3A = arith.extui %eq3A_0 : i1 to i32
    %cond3A = arith.constant 0 : i32
    %cond3A_1 = arith.cmpi ne, %convert_element_type3A, %cond3A : i32
    scf.if %cond3A_1 {
      %get3A_16 = arith.constant 0 : index
      %get3A_17 = arith.constant 0 : index
      %get3A_18 = vector.load %arg3[%get3A_16, %get3A_17] : memref<1x128xf32, #tpu.memory_space<vmem>>, vector<1x128xf32>
      %get3A_19 = arith.constant 0 : index
      %get3A_20 = arith.constant 0 : index
      %get3A_21 = vector.load %arg1[%get3A_19, %get3A_20] : memref<40x64xf32, #tpu.memory_space<vmem>>, vector<1x64xf32>
      %get3A_22 = arith.constant 0 : index
      %get3A_23 = arith.constant 0 : index
      %get3A_24 = arith.constant 0 : index
      %get3A_25 = vector.load %arg2[%get3A_22, %get3A_23, %get3A_24] : memref<40x64x128xf32, #tpu.memory_space<vmem>>, vector<1x64x128xf32>
      %get3A_26 = vector.shape_cast %get3A_25 : vector<1x64x128xf32> to vector<64x128xf32>
      %dot_general3A_27 = arith.constant dense<0.000000e+00> : vector<1x128xf32>
      %dot_general3A_28 = tpu.matmul %get3A_21, %get3A_26, %dot_general3A_27 {dimension_numbers = #tpu.dot_dimension_numbers<[1], [0], [0], [1], [0, 0, 1, 1], [], []>, transpose_lhs_hint = false} : vector<1x64xf32>, vector<64x128xf32>, vector<1x128xf32> -> vector<1x128xf32>
      %add3A = arith.addf %get3A_18, %dot_general3A_28 : vector<1x128xf32>
      %get3A_29 = arith.constant 1 : index
      %get3A_30 = arith.constant 0 : index
      %get3A_31 = vector.load %arg1[%get3A_29, %get3A_30] : memref<40x64xf32, #tpu.memory_space<vmem>>, vector<1x64xf32>
      %get3A_32 = arith.constant 1 : index
      %get3A_33 = arith.constant 0 : index
      %get3A_34 = arith.constant 0 : index
      %get3A_35 = vector.load %arg2[%get3A_32, %get3A_33, %get3A_34] : memref<40x64x128xf32, #tpu.memory_space<vmem>>, vector<1x64x128xf32>
      %get3A_36 = vector.shape_cast %get3A_35 : vector<1x64x128xf32> to vector<64x128xf32>
      %dot_general3A_37 = arith.constant dense<0.000000e+00> : vector<1x128xf32>
      %dot_general3A_38 = tpu.matmul %get3A_31, %get3A_36, %dot_general3A_37 {dimension_numbers = #tpu.dot_dimension_numbers<[1], [0], [0], [1], [0, 0, 1, 1], [], []>, transpose_lhs_hint = false} : vector<1x64xf32>, vector<64x128xf32>, vector<1x128xf32> -> vector<1x128xf32>
      %add3A_39 = arith.addf %add3A, %dot_general3A_38 : vector<1x128xf32>
      %get3A_40 = arith.constant 2 : index
      %get3A_41 = arith.constant 0 : index
      %get3A_42 = vector.load %arg1[%get3A_40, %get3A_41] : memref<40x64xf32, #tpu.memory_space<vmem>>, vector<1x64xf32>
      %get3A_43 = arith.constant 2 : index
      %get3A_44 = arith.constant 0 : index
      %get3A_45 = arith.constant 0 : index
      %get3A_46 = vector.load %arg2[%get3A_43, %get3A_44, %get3A_45] : memref<40x64x128xf32, #tpu.memory_space<vmem>>, vector<1x64x128xf32>
      %get3A_47 = vector.shape_cast %get3A_46 : vector<1x64x128xf32> to vector<64x128xf32>
      %dot_general3A_48 = arith.constant dense<0.000000e+00> : vector<1x128xf32>
      %dot_general3A_49 = tpu.matmul %get3A_42, %get3A_47, %dot_general3A_48 {dimension_numbers = #tpu.dot_dimension_numbers<[1], [0], [0], [1], [0, 0, 1, 1], [], []>, transpose_lhs_hint = false} : vector<1x64xf32>, vector<64x128xf32>, vector<1x128xf32> -> vector<1x128xf32>
      %add3A_50 = arith.addf %add3A_39, %dot_general3A_49 : vector<1x128xf32>
      %get3A_51 = arith.constant 3 : index
      %get3A_52 = arith.constant 0 : index
      %get3A_53 = vector.load %arg1[%get3A_51, %get3A_52] : memref<40x64xf32, #tpu.memory_space<vmem>>, vector<1x64xf32>
      %get3A_54 = arith.constant 3 : index
      %get3A_55 = arith.constant 0 : index
      %get3A_56 = arith.constant 0 : index
      %get3A_57 = vector.load %arg2[%get3A_54, %get3A_55, %get3A_56] : memref<40x64x128xf32, #tpu.memory_space<vmem>>, vector<1x64x128xf32>
      %get3A_58 = vector.shape_cast %get3A_57 : vector<1x64x128xf32> to vector<64x128xf32>
      %dot_general3A_59 = arith.constant dense<0.000000e+00> : vector<1x128xf32>
      %dot_general3A_60 = tpu.matmul %get3A_53, %get3A_58, %dot_general3A_59 {dimension_numbers = #tpu.dot_dimension_numbers<[1], [0], [0], [1], [0, 0, 1, 1], [], []>, transpose_lhs_hint = false} : vector<1x64xf32>, vector<64x128xf32>, vector<1x128xf32> -> vector<1x128xf32>
      %add3A_61 = arith.addf %add3A_50, %dot_general3A_60 : vector<1x128xf32>
      %get3A_62 = arith.constant 4 : index
      %get3A_63 = arith.constant 0 : index
      %get3A_64 = vector.load %arg1[%get3A_62, %get3A_63] : memref<40x64xf32, #tpu.memory_space<vmem>>, vector<1x64xf32>
      %get3A_65 = arith.constant 4 : index
      %get3A_66 = arith.constant 0 : index
      %get3A_67 = arith.constant 0 : index
      %get3A_68 = vector.load %arg2[%get3A_65, %get3A_66, %get3A_67] : memref<40x64x128xf32, #tpu.memory_space<vmem>>, vector<1x64x128xf32>
      %get3A_69 = vector.shape_cast %get3A_68 : vector<1x64x128xf32> to vector<64x128xf32>
      %dot_general3A_70 = arith.constant dense<0.000000e+00> : vector<1x128xf32>
      %dot_general3A_71 = tpu.matmul %get3A_64, %get3A_69, %dot_general3A_70 {dimension_numbers = #tpu.dot_dimension_numbers<[1], [0], [0], [1], [0, 0, 1, 1], [], []>, transpose_lhs_hint = false} : vector<1x64xf32>, vector<64x128xf32>, vector<1x128xf32> -> vector<1x128xf32>
      %add3A_72 = arith.addf %add3A_61, %dot_general3A_71 : vector<1x128xf32>
      %get3A_73 = arith.constant 5 : index
      %get3A_74 = arith.constant 0 : index
      %get3A_75 = vector.load %arg1[%get3A_73, %get3A_74] : memref<40x64xf32, #tpu.memory_space<vmem>>, vector<1x64xf32>
      %get3A_76 = arith.constant 5 : index
      %get3A_77 = arith.constant 0 : index
      %get3A_78 = arith.constant 0 : index
      %get3A_79 = vector.load %arg2[%get3A_76, %get3A_77, %get3A_78] : memref<40x64x128xf32, #tpu.memory_space<vmem>>, vector<1x64x128xf32>
      %get3A_80 = vector.shape_cast %get3A_79 : vector<1x64x128xf32> to vector<64x128xf32>
      %dot_general3A_81 = arith.constant dense<0.000000e+00> : vector<1x128xf32>
      %dot_general3A_82 = tpu.matmul %get3A_75, %get3A_80, %dot_general3A_81 {dimension_numbers = #tpu.dot_dimension_numbers<[1], [0], [0], [1], [0, 0, 1, 1], [], []>, transpose_lhs_hint = false} : vector<1x64xf32>, vector<64x128xf32>, vector<1x128xf32> -> vector<1x128xf32>
      %add3A_83 = arith.addf %add3A_72, %dot_general3A_82 : vector<1x128xf32>
      %get3A_84 = arith.constant 6 : index
      %get3A_85 = arith.constant 0 : index
      %get3A_86 = vector.load %arg1[%get3A_84, %get3A_85] : memref<40x64xf32, #tpu.memory_space<vmem>>, vector<1x64xf32>
      %get3A_87 = arith.constant 6 : index
      %get3A_88 = arith.constant 0 : index
      %get3A_89 = arith.constant 0 : index
      %get3A_90 = vector.load %arg2[%get3A_87, %get3A_88, %get3A_89] : memref<40x64x128xf32, #tpu.memory_space<vmem>>, vector<1x64x128xf32>
      %get3A_91 = vector.shape_cast %get3A_90 : vector<1x64x128xf32> to vector<64x128xf32>
      %dot_general3A_92 = arith.constant dense<0.000000e+00> : vector<1x128xf32>
      %dot_general3A_93 = tpu.matmul %get3A_86, %get3A_91, %dot_general3A_92 {dimension_numbers = #tpu.dot_dimension_numbers<[1], [0], [0], [1], [0, 0, 1, 1], [], []>, transpose_lhs_hint = false} : vector<1x64xf32>, vector<64x128xf32>, vector<1x128xf32> -> vector<1x128xf32>
      %add3A_94 = arith.addf %add3A_83, %dot_general3A_93 : vector<1x128xf32>
      %get3A_95 = arith.constant 7 : index
      %get3A_96 = arith.constant 0 : index
      %get3A_97 = vector.load %arg1[%get3A_95, %get3A_96] : memref<40x64xf32, #tpu.memory_space<vmem>>, vector<1x64xf32>
      %get3A_98 = arith.constant 7 : index
      %get3A_99 = arith.constant 0 : index
      %get3A_100 = arith.constant 0 : index
      %get3A_101 = vector.load %arg2[%get3A_98, %get3A_99, %get3A_100] : memref<40x64x128xf32, #tpu.memory_space<vmem>>, vector<1x64x128xf32>
      %get3A_102 = vector.shape_cast %get3A_101 : vector<1x64x128xf32> to vector<64x128xf32>
      %dot_general3A_103 = arith.constant dense<0.000000e+00> : vector<1x128xf32>
      %dot_general3A_104 = tpu.matmul %get3A_97, %get3A_102, %dot_general3A_103 {dimension_numbers = #tpu.dot_dimension_numbers<[1], [0], [0], [1], [0, 0, 1, 1], [], []>, transpose_lhs_hint = false} : vector<1x64xf32>, vector<64x128xf32>, vector<1x128xf32> -> vector<1x128xf32>
      %add3A_105 = arith.addf %add3A_94, %dot_general3A_104 : vector<1x128xf32>
      %get3A_106 = arith.constant 8 : index
      %get3A_107 = arith.constant 0 : index
      %get3A_108 = vector.load %arg1[%get3A_106, %get3A_107] : memref<40x64xf32, #tpu.memory_space<vmem>>, vector<1x64xf32>
      %get3A_109 = arith.constant 8 : index
      %get3A_110 = arith.constant 0 : index
      %get3A_111 = arith.constant 0 : index
      %get3A_112 = vector.load %arg2[%get3A_109, %get3A_110, %get3A_111] : memref<40x64x128xf32, #tpu.memory_space<vmem>>, vector<1x64x128xf32>
      %get3A_113 = vector.shape_cast %get3A_112 : vector<1x64x128xf32> to vector<64x128xf32>
      %dot_general3A_114 = arith.constant dense<0.000000e+00> : vector<1x128xf32>
      %dot_general3A_115 = tpu.matmul %get3A_108, %get3A_113, %dot_general3A_114 {dimension_numbers = #tpu.dot_dimension_numbers<[1], [0], [0], [1], [0, 0, 1, 1], [], []>, transpose_lhs_hint = false} : vector<1x64xf32>, vector<64x128xf32>, vector<1x128xf32> -> vector<1x128xf32>
      %add3A_116 = arith.addf %add3A_105, %dot_general3A_115 : vector<1x128xf32>
      %get3A_117 = arith.constant 9 : index
      %get3A_118 = arith.constant 0 : index
      %get3A_119 = vector.load %arg1[%get3A_117, %get3A_118] : memref<40x64xf32, #tpu.memory_space<vmem>>, vector<1x64xf32>
      %get3A_120 = arith.constant 9 : index
      %get3A_121 = arith.constant 0 : index
      %get3A_122 = arith.constant 0 : index
      %get3A_123 = vector.load %arg2[%get3A_120, %get3A_121, %get3A_122] : memref<40x64x128xf32, #tpu.memory_space<vmem>>, vector<1x64x128xf32>
      %get3A_124 = vector.shape_cast %get3A_123 : vector<1x64x128xf32> to vector<64x128xf32>
      %dot_general3A_125 = arith.constant dense<0.000000e+00> : vector<1x128xf32>
      %dot_general3A_126 = tpu.matmul %get3A_119, %get3A_124, %dot_general3A_125 {dimension_numbers = #tpu.dot_dimension_numbers<[1], [0], [0], [1], [0, 0, 1, 1], [], []>, transpose_lhs_hint = false} : vector<1x64xf32>, vector<64x128xf32>, vector<1x128xf32> -> vector<1x128xf32>
      %add3A_127 = arith.addf %add3A_116, %dot_general3A_126 : vector<1x128xf32>
      %get3A_128 = arith.constant 10 : index
      %get3A_129 = arith.constant 0 : index
      %get3A_130 = vector.load %arg1[%get3A_128, %get3A_129] : memref<40x64xf32, #tpu.memory_space<vmem>>, vector<1x64xf32>
      %get3A_131 = arith.constant 10 : index
      %get3A_132 = arith.constant 0 : index
      %get3A_133 = arith.constant 0 : index
      %get3A_134 = vector.load %arg2[%get3A_131, %get3A_132, %get3A_133] : memref<40x64x128xf32, #tpu.memory_space<vmem>>, vector<1x64x128xf32>
      %get3A_135 = vector.shape_cast %get3A_134 : vector<1x64x128xf32> to vector<64x128xf32>
      %dot_general3A_136 = arith.constant dense<0.000000e+00> : vector<1x128xf32>
      %dot_general3A_137 = tpu.matmul %get3A_130, %get3A_135, %dot_general3A_136 {dimension_numbers = #tpu.dot_dimension_numbers<[1], [0], [0], [1], [0, 0, 1, 1], [], []>, transpose_lhs_hint = false} : vector<1x64xf32>, vector<64x128xf32>, vector<1x128xf32> -> vector<1x128xf32>
      %add3A_138 = arith.addf %add3A_127, %dot_general3A_137 : vector<1x128xf32>
      %get3A_139 = arith.constant 11 : index
      %get3A_140 = arith.constant 0 : index
      %get3A_141 = vector.load %arg1[%get3A_139, %get3A_140] : memref<40x64xf32, #tpu.memory_space<vmem>>, vector<1x64xf32>
      %get3A_142 = arith.constant 11 : index
      %get3A_143 = arith.constant 0 : index
      %get3A_144 = arith.constant 0 : index
      %get3A_145 = vector.load %arg2[%get3A_142, %get3A_143, %get3A_144] : memref<40x64x128xf32, #tpu.memory_space<vmem>>, vector<1x64x128xf32>
      %get3A_146 = vector.shape_cast %get3A_145 : vector<1x64x128xf32> to vector<64x128xf32>
      %dot_general3A_147 = arith.constant dense<0.000000e+00> : vector<1x128xf32>
      %dot_general3A_148 = tpu.matmul %get3A_141, %get3A_146, %dot_general3A_147 {dimension_numbers = #tpu.dot_dimension_numbers<[1], [0], [0], [1], [0, 0, 1, 1], [], []>, transpose_lhs_hint = false} : vector<1x64xf32>, vector<64x128xf32>, vector<1x128xf32> -> vector<1x128xf32>
      %add3A_149 = arith.addf %add3A_138, %dot_general3A_148 : vector<1x128xf32>
      %get3A_150 = arith.constant 12 : index
      %get3A_151 = arith.constant 0 : index
      %get3A_152 = vector.load %arg1[%get3A_150, %get3A_151] : memref<40x64xf32, #tpu.memory_space<vmem>>, vector<1x64xf32>
      %get3A_153 = arith.constant 12 : index
      %get3A_154 = arith.constant 0 : index
      %get3A_155 = arith.constant 0 : index
      %get3A_156 = vector.load %arg2[%get3A_153, %get3A_154, %get3A_155] : memref<40x64x128xf32, #tpu.memory_space<vmem>>, vector<1x64x128xf32>
      %get3A_157 = vector.shape_cast %get3A_156 : vector<1x64x128xf32> to vector<64x128xf32>
      %dot_general3A_158 = arith.constant dense<0.000000e+00> : vector<1x128xf32>
      %dot_general3A_159 = tpu.matmul %get3A_152, %get3A_157, %dot_general3A_158 {dimension_numbers = #tpu.dot_dimension_numbers<[1], [0], [0], [1], [0, 0, 1, 1], [], []>, transpose_lhs_hint = false} : vector<1x64xf32>, vector<64x128xf32>, vector<1x128xf32> -> vector<1x128xf32>
      %add3A_160 = arith.addf %add3A_149, %dot_general3A_159 : vector<1x128xf32>
      %get3A_161 = arith.constant 13 : index
      %get3A_162 = arith.constant 0 : index
      %get3A_163 = vector.load %arg1[%get3A_161, %get3A_162] : memref<40x64xf32, #tpu.memory_space<vmem>>, vector<1x64xf32>
      %get3A_164 = arith.constant 13 : index
      %get3A_165 = arith.constant 0 : index
      %get3A_166 = arith.constant 0 : index
      %get3A_167 = vector.load %arg2[%get3A_164, %get3A_165, %get3A_166] : memref<40x64x128xf32, #tpu.memory_space<vmem>>, vector<1x64x128xf32>
      %get3A_168 = vector.shape_cast %get3A_167 : vector<1x64x128xf32> to vector<64x128xf32>
      %dot_general3A_169 = arith.constant dense<0.000000e+00> : vector<1x128xf32>
      %dot_general3A_170 = tpu.matmul %get3A_163, %get3A_168, %dot_general3A_169 {dimension_numbers = #tpu.dot_dimension_numbers<[1], [0], [0], [1], [0, 0, 1, 1], [], []>, transpose_lhs_hint = false} : vector<1x64xf32>, vector<64x128xf32>, vector<1x128xf32> -> vector<1x128xf32>
      %add3A_171 = arith.addf %add3A_160, %dot_general3A_170 : vector<1x128xf32>
      %get3A_172 = arith.constant 14 : index
      %get3A_173 = arith.constant 0 : index
      %get3A_174 = vector.load %arg1[%get3A_172, %get3A_173] : memref<40x64xf32, #tpu.memory_space<vmem>>, vector<1x64xf32>
      %get3A_175 = arith.constant 14 : index
      %get3A_176 = arith.constant 0 : index
      %get3A_177 = arith.constant 0 : index
      %get3A_178 = vector.load %arg2[%get3A_175, %get3A_176, %get3A_177] : memref<40x64x128xf32, #tpu.memory_space<vmem>>, vector<1x64x128xf32>
      %get3A_179 = vector.shape_cast %get3A_178 : vector<1x64x128xf32> to vector<64x128xf32>
      %dot_general3A_180 = arith.constant dense<0.000000e+00> : vector<1x128xf32>
      %dot_general3A_181 = tpu.matmul %get3A_174, %get3A_179, %dot_general3A_180 {dimension_numbers = #tpu.dot_dimension_numbers<[1], [0], [0], [1], [0, 0, 1, 1], [], []>, transpose_lhs_hint = false} : vector<1x64xf32>, vector<64x128xf32>, vector<1x128xf32> -> vector<1x128xf32>
      %add3A_182 = arith.addf %add3A_171, %dot_general3A_181 : vector<1x128xf32>
      %get3A_183 = arith.constant 15 : index
      %get3A_184 = arith.constant 0 : index
      %get3A_185 = vector.load %arg1[%get3A_183, %get3A_184] : memref<40x64xf32, #tpu.memory_space<vmem>>, vector<1x64xf32>
      %get3A_186 = arith.constant 15 : index
      %get3A_187 = arith.constant 0 : index
      %get3A_188 = arith.constant 0 : index
      %get3A_189 = vector.load %arg2[%get3A_186, %get3A_187, %get3A_188] : memref<40x64x128xf32, #tpu.memory_space<vmem>>, vector<1x64x128xf32>
      %get3A_190 = vector.shape_cast %get3A_189 : vector<1x64x128xf32> to vector<64x128xf32>
      %dot_general3A_191 = arith.constant dense<0.000000e+00> : vector<1x128xf32>
      %dot_general3A_192 = tpu.matmul %get3A_185, %get3A_190, %dot_general3A_191 {dimension_numbers = #tpu.dot_dimension_numbers<[1], [0], [0], [1], [0, 0, 1, 1], [], []>, transpose_lhs_hint = false} : vector<1x64xf32>, vector<64x128xf32>, vector<1x128xf32> -> vector<1x128xf32>
      %add3A_193 = arith.addf %add3A_182, %dot_general3A_192 : vector<1x128xf32>
      %get3A_194 = arith.constant 16 : index
      %get3A_195 = arith.constant 0 : index
      %get3A_196 = vector.load %arg1[%get3A_194, %get3A_195] : memref<40x64xf32, #tpu.memory_space<vmem>>, vector<1x64xf32>
      %get3A_197 = arith.constant 16 : index
      %get3A_198 = arith.constant 0 : index
      %get3A_199 = arith.constant 0 : index
      %get3A_200 = vector.load %arg2[%get3A_197, %get3A_198, %get3A_199] : memref<40x64x128xf32, #tpu.memory_space<vmem>>, vector<1x64x128xf32>
      %get3A_201 = vector.shape_cast %get3A_200 : vector<1x64x128xf32> to vector<64x128xf32>
      %dot_general3A_202 = arith.constant dense<0.000000e+00> : vector<1x128xf32>
      %dot_general3A_203 = tpu.matmul %get3A_196, %get3A_201, %dot_general3A_202 {dimension_numbers = #tpu.dot_dimension_numbers<[1], [0], [0], [1], [0, 0, 1, 1], [], []>, transpose_lhs_hint = false} : vector<1x64xf32>, vector<64x128xf32>, vector<1x128xf32> -> vector<1x128xf32>
      %add3A_204 = arith.addf %add3A_193, %dot_general3A_203 : vector<1x128xf32>
      %get3A_205 = arith.constant 17 : index
      %get3A_206 = arith.constant 0 : index
      %get3A_207 = vector.load %arg1[%get3A_205, %get3A_206] : memref<40x64xf32, #tpu.memory_space<vmem>>, vector<1x64xf32>
      %get3A_208 = arith.constant 17 : index
      %get3A_209 = arith.constant 0 : index
      %get3A_210 = arith.constant 0 : index
      %get3A_211 = vector.load %arg2[%get3A_208, %get3A_209, %get3A_210] : memref<40x64x128xf32, #tpu.memory_space<vmem>>, vector<1x64x128xf32>
      %get3A_212 = vector.shape_cast %get3A_211 : vector<1x64x128xf32> to vector<64x128xf32>
      %dot_general3A_213 = arith.constant dense<0.000000e+00> : vector<1x128xf32>
      %dot_general3A_214 = tpu.matmul %get3A_207, %get3A_212, %dot_general3A_213 {dimension_numbers = #tpu.dot_dimension_numbers<[1], [0], [0], [1], [0, 0, 1, 1], [], []>, transpose_lhs_hint = false} : vector<1x64xf32>, vector<64x128xf32>, vector<1x128xf32> -> vector<1x128xf32>
      %add3A_215 = arith.addf %add3A_204, %dot_general3A_214 : vector<1x128xf32>
      %get3A_216 = arith.constant 18 : index
      %get3A_217 = arith.constant 0 : index
      %get3A_218 = vector.load %arg1[%get3A_216, %get3A_217] : memref<40x64xf32, #tpu.memory_space<vmem>>, vector<1x64xf32>
      %get3A_219 = arith.constant 18 : index
      %get3A_220 = arith.constant 0 : index
      %get3A_221 = arith.constant 0 : index
      %get3A_222 = vector.load %arg2[%get3A_219, %get3A_220, %get3A_221] : memref<40x64x128xf32, #tpu.memory_space<vmem>>, vector<1x64x128xf32>
      %get3A_223 = vector.shape_cast %get3A_222 : vector<1x64x128xf32> to vector<64x128xf32>
      %dot_general3A_224 = arith.constant dense<0.000000e+00> : vector<1x128xf32>
      %dot_general3A_225 = tpu.matmul %get3A_218, %get3A_223, %dot_general3A_224 {dimension_numbers = #tpu.dot_dimension_numbers<[1], [0], [0], [1], [0, 0, 1, 1], [], []>, transpose_lhs_hint = false} : vector<1x64xf32>, vector<64x128xf32>, vector<1x128xf32> -> vector<1x128xf32>
      %add3A_226 = arith.addf %add3A_215, %dot_general3A_225 : vector<1x128xf32>
      %get3A_227 = arith.constant 19 : index
      %get3A_228 = arith.constant 0 : index
      %get3A_229 = vector.load %arg1[%get3A_227, %get3A_228] : memref<40x64xf32, #tpu.memory_space<vmem>>, vector<1x64xf32>
      %get3A_230 = arith.constant 19 : index
      %get3A_231 = arith.constant 0 : index
      %get3A_232 = arith.constant 0 : index
      %get3A_233 = vector.load %arg2[%get3A_230, %get3A_231, %get3A_232] : memref<40x64x128xf32, #tpu.memory_space<vmem>>, vector<1x64x128xf32>
      %get3A_234 = vector.shape_cast %get3A_233 : vector<1x64x128xf32> to vector<64x128xf32>
      %dot_general3A_235 = arith.constant dense<0.000000e+00> : vector<1x128xf32>
      %dot_general3A_236 = tpu.matmul %get3A_229, %get3A_234, %dot_general3A_235 {dimension_numbers = #tpu.dot_dimension_numbers<[1], [0], [0], [1], [0, 0, 1, 1], [], []>, transpose_lhs_hint = false} : vector<1x64xf32>, vector<64x128xf32>, vector<1x128xf32> -> vector<1x128xf32>
      %add3A_237 = arith.addf %add3A_226, %dot_general3A_236 : vector<1x128xf32>
      %get3A_238 = arith.constant 20 : index
      %get3A_239 = arith.constant 0 : index
      %get3A_240 = vector.load %arg1[%get3A_238, %get3A_239] : memref<40x64xf32, #tpu.memory_space<vmem>>, vector<1x64xf32>
      %get3A_241 = arith.constant 20 : index
      %get3A_242 = arith.constant 0 : index
      %get3A_243 = arith.constant 0 : index
      %get3A_244 = vector.load %arg2[%get3A_241, %get3A_242, %get3A_243] : memref<40x64x128xf32, #tpu.memory_space<vmem>>, vector<1x64x128xf32>
      %get3A_245 = vector.shape_cast %get3A_244 : vector<1x64x128xf32> to vector<64x128xf32>
      %dot_general3A_246 = arith.constant dense<0.000000e+00> : vector<1x128xf32>
      %dot_general3A_247 = tpu.matmul %get3A_240, %get3A_245, %dot_general3A_246 {dimension_numbers = #tpu.dot_dimension_numbers<[1], [0], [0], [1], [0, 0, 1, 1], [], []>, transpose_lhs_hint = false} : vector<1x64xf32>, vector<64x128xf32>, vector<1x128xf32> -> vector<1x128xf32>
      %add3A_248 = arith.addf %add3A_237, %dot_general3A_247 : vector<1x128xf32>
      %get3A_249 = arith.constant 21 : index
      %get3A_250 = arith.constant 0 : index
      %get3A_251 = vector.load %arg1[%get3A_249, %get3A_250] : memref<40x64xf32, #tpu.memory_space<vmem>>, vector<1x64xf32>
      %get3A_252 = arith.constant 21 : index
      %get3A_253 = arith.constant 0 : index
      %get3A_254 = arith.constant 0 : index
      %get3A_255 = vector.load %arg2[%get3A_252, %get3A_253, %get3A_254] : memref<40x64x128xf32, #tpu.memory_space<vmem>>, vector<1x64x128xf32>
      %get3A_256 = vector.shape_cast %get3A_255 : vector<1x64x128xf32> to vector<64x128xf32>
      %dot_general3A_257 = arith.constant dense<0.000000e+00> : vector<1x128xf32>
      %dot_general3A_258 = tpu.matmul %get3A_251, %get3A_256, %dot_general3A_257 {dimension_numbers = #tpu.dot_dimension_numbers<[1], [0], [0], [1], [0, 0, 1, 1], [], []>, transpose_lhs_hint = false} : vector<1x64xf32>, vector<64x128xf32>, vector<1x128xf32> -> vector<1x128xf32>
      %add3A_259 = arith.addf %add3A_248, %dot_general3A_258 : vector<1x128xf32>
      %get3A_260 = arith.constant 22 : index
      %get3A_261 = arith.constant 0 : index
      %get3A_262 = vector.load %arg1[%get3A_260, %get3A_261] : memref<40x64xf32, #tpu.memory_space<vmem>>, vector<1x64xf32>
      %get3A_263 = arith.constant 22 : index
      %get3A_264 = arith.constant 0 : index
      %get3A_265 = arith.constant 0 : index
      %get3A_266 = vector.load %arg2[%get3A_263, %get3A_264, %get3A_265] : memref<40x64x128xf32, #tpu.memory_space<vmem>>, vector<1x64x128xf32>
      %get3A_267 = vector.shape_cast %get3A_266 : vector<1x64x128xf32> to vector<64x128xf32>
      %dot_general3A_268 = arith.constant dense<0.000000e+00> : vector<1x128xf32>
      %dot_general3A_269 = tpu.matmul %get3A_262, %get3A_267, %dot_general3A_268 {dimension_numbers = #tpu.dot_dimension_numbers<[1], [0], [0], [1], [0, 0, 1, 1], [], []>, transpose_lhs_hint = false} : vector<1x64xf32>, vector<64x128xf32>, vector<1x128xf32> -> vector<1x128xf32>
      %add3A_270 = arith.addf %add3A_259, %dot_general3A_269 : vector<1x128xf32>
      %get3A_271 = arith.constant 23 : index
      %get3A_272 = arith.constant 0 : index
      %get3A_273 = vector.load %arg1[%get3A_271, %get3A_272] : memref<40x64xf32, #tpu.memory_space<vmem>>, vector<1x64xf32>
      %get3A_274 = arith.constant 23 : index
      %get3A_275 = arith.constant 0 : index
      %get3A_276 = arith.constant 0 : index
      %get3A_277 = vector.load %arg2[%get3A_274, %get3A_275, %get3A_276] : memref<40x64x128xf32, #tpu.memory_space<vmem>>, vector<1x64x128xf32>
      %get3A_278 = vector.shape_cast %get3A_277 : vector<1x64x128xf32> to vector<64x128xf32>
      %dot_general3A_279 = arith.constant dense<0.000000e+00> : vector<1x128xf32>
      %dot_general3A_280 = tpu.matmul %get3A_273, %get3A_278, %dot_general3A_279 {dimension_numbers = #tpu.dot_dimension_numbers<[1], [0], [0], [1], [0, 0, 1, 1], [], []>, transpose_lhs_hint = false} : vector<1x64xf32>, vector<64x128xf32>, vector<1x128xf32> -> vector<1x128xf32>
      %add3A_281 = arith.addf %add3A_270, %dot_general3A_280 : vector<1x128xf32>
      %get3A_282 = arith.constant 24 : index
      %get3A_283 = arith.constant 0 : index
      %get3A_284 = vector.load %arg1[%get3A_282, %get3A_283] : memref<40x64xf32, #tpu.memory_space<vmem>>, vector<1x64xf32>
      %get3A_285 = arith.constant 24 : index
      %get3A_286 = arith.constant 0 : index
      %get3A_287 = arith.constant 0 : index
      %get3A_288 = vector.load %arg2[%get3A_285, %get3A_286, %get3A_287] : memref<40x64x128xf32, #tpu.memory_space<vmem>>, vector<1x64x128xf32>
      %get3A_289 = vector.shape_cast %get3A_288 : vector<1x64x128xf32> to vector<64x128xf32>
      %dot_general3A_290 = arith.constant dense<0.000000e+00> : vector<1x128xf32>
      %dot_general3A_291 = tpu.matmul %get3A_284, %get3A_289, %dot_general3A_290 {dimension_numbers = #tpu.dot_dimension_numbers<[1], [0], [0], [1], [0, 0, 1, 1], [], []>, transpose_lhs_hint = false} : vector<1x64xf32>, vector<64x128xf32>, vector<1x128xf32> -> vector<1x128xf32>
      %add3A_292 = arith.addf %add3A_281, %dot_general3A_291 : vector<1x128xf32>
      %get3A_293 = arith.constant 25 : index
      %get3A_294 = arith.constant 0 : index
      %get3A_295 = vector.load %arg1[%get3A_293, %get3A_294] : memref<40x64xf32, #tpu.memory_space<vmem>>, vector<1x64xf32>
      %get3A_296 = arith.constant 25 : index
      %get3A_297 = arith.constant 0 : index
      %get3A_298 = arith.constant 0 : index
      %get3A_299 = vector.load %arg2[%get3A_296, %get3A_297, %get3A_298] : memref<40x64x128xf32, #tpu.memory_space<vmem>>, vector<1x64x128xf32>
      %get3A_300 = vector.shape_cast %get3A_299 : vector<1x64x128xf32> to vector<64x128xf32>
      %dot_general3A_301 = arith.constant dense<0.000000e+00> : vector<1x128xf32>
      %dot_general3A_302 = tpu.matmul %get3A_295, %get3A_300, %dot_general3A_301 {dimension_numbers = #tpu.dot_dimension_numbers<[1], [0], [0], [1], [0, 0, 1, 1], [], []>, transpose_lhs_hint = false} : vector<1x64xf32>, vector<64x128xf32>, vector<1x128xf32> -> vector<1x128xf32>
      %add3A_303 = arith.addf %add3A_292, %dot_general3A_302 : vector<1x128xf32>
      %get3A_304 = arith.constant 26 : index
      %get3A_305 = arith.constant 0 : index
      %get3A_306 = vector.load %arg1[%get3A_304, %get3A_305] : memref<40x64xf32, #tpu.memory_space<vmem>>, vector<1x64xf32>
      %get3A_307 = arith.constant 26 : index
      %get3A_308 = arith.constant 0 : index
      %get3A_309 = arith.constant 0 : index
      %get3A_310 = vector.load %arg2[%get3A_307, %get3A_308, %get3A_309] : memref<40x64x128xf32, #tpu.memory_space<vmem>>, vector<1x64x128xf32>
      %get3A_311 = vector.shape_cast %get3A_310 : vector<1x64x128xf32> to vector<64x128xf32>
      %dot_general3A_312 = arith.constant dense<0.000000e+00> : vector<1x128xf32>
      %dot_general3A_313 = tpu.matmul %get3A_306, %get3A_311, %dot_general3A_312 {dimension_numbers = #tpu.dot_dimension_numbers<[1], [0], [0], [1], [0, 0, 1, 1], [], []>, transpose_lhs_hint = false} : vector<1x64xf32>, vector<64x128xf32>, vector<1x128xf32> -> vector<1x128xf32>
      %add3A_314 = arith.addf %add3A_303, %dot_general3A_313 : vector<1x128xf32>
      %get3A_315 = arith.constant 27 : index
      %get3A_316 = arith.constant 0 : index
      %get3A_317 = vector.load %arg1[%get3A_315, %get3A_316] : memref<40x64xf32, #tpu.memory_space<vmem>>, vector<1x64xf32>
      %get3A_318 = arith.constant 27 : index
      %get3A_319 = arith.constant 0 : index
      %get3A_320 = arith.constant 0 : index
      %get3A_321 = vector.load %arg2[%get3A_318, %get3A_319, %get3A_320] : memref<40x64x128xf32, #tpu.memory_space<vmem>>, vector<1x64x128xf32>
      %get3A_322 = vector.shape_cast %get3A_321 : vector<1x64x128xf32> to vector<64x128xf32>
      %dot_general3A_323 = arith.constant dense<0.000000e+00> : vector<1x128xf32>
      %dot_general3A_324 = tpu.matmul %get3A_317, %get3A_322, %dot_general3A_323 {dimension_numbers = #tpu.dot_dimension_numbers<[1], [0], [0], [1], [0, 0, 1, 1], [], []>, transpose_lhs_hint = false} : vector<1x64xf32>, vector<64x128xf32>, vector<1x128xf32> -> vector<1x128xf32>
      %add3A_325 = arith.addf %add3A_314, %dot_general3A_324 : vector<1x128xf32>
      %get3A_326 = arith.constant 28 : index
      %get3A_327 = arith.constant 0 : index
      %get3A_328 = vector.load %arg1[%get3A_326, %get3A_327] : memref<40x64xf32, #tpu.memory_space<vmem>>, vector<1x64xf32>
      %get3A_329 = arith.constant 28 : index
      %get3A_330 = arith.constant 0 : index
      %get3A_331 = arith.constant 0 : index
      %get3A_332 = vector.load %arg2[%get3A_329, %get3A_330, %get3A_331] : memref<40x64x128xf32, #tpu.memory_space<vmem>>, vector<1x64x128xf32>
      %get3A_333 = vector.shape_cast %get3A_332 : vector<1x64x128xf32> to vector<64x128xf32>
      %dot_general3A_334 = arith.constant dense<0.000000e+00> : vector<1x128xf32>
      %dot_general3A_335 = tpu.matmul %get3A_328, %get3A_333, %dot_general3A_334 {dimension_numbers = #tpu.dot_dimension_numbers<[1], [0], [0], [1], [0, 0, 1, 1], [], []>, transpose_lhs_hint = false} : vector<1x64xf32>, vector<64x128xf32>, vector<1x128xf32> -> vector<1x128xf32>
      %add3A_336 = arith.addf %add3A_325, %dot_general3A_335 : vector<1x128xf32>
      %get3A_337 = arith.constant 29 : index
      %get3A_338 = arith.constant 0 : index
      %get3A_339 = vector.load %arg1[%get3A_337, %get3A_338] : memref<40x64xf32, #tpu.memory_space<vmem>>, vector<1x64xf32>
      %get3A_340 = arith.constant 29 : index
      %get3A_341 = arith.constant 0 : index
      %get3A_342 = arith.constant 0 : index
      %get3A_343 = vector.load %arg2[%get3A_340, %get3A_341, %get3A_342] : memref<40x64x128xf32, #tpu.memory_space<vmem>>, vector<1x64x128xf32>
      %get3A_344 = vector.shape_cast %get3A_343 : vector<1x64x128xf32> to vector<64x128xf32>
      %dot_general3A_345 = arith.constant dense<0.000000e+00> : vector<1x128xf32>
      %dot_general3A_346 = tpu.matmul %get3A_339, %get3A_344, %dot_general3A_345 {dimension_numbers = #tpu.dot_dimension_numbers<[1], [0], [0], [1], [0, 0, 1, 1], [], []>, transpose_lhs_hint = false} : vector<1x64xf32>, vector<64x128xf32>, vector<1x128xf32> -> vector<1x128xf32>
      %add3A_347 = arith.addf %add3A_336, %dot_general3A_346 : vector<1x128xf32>
      %get3A_348 = arith.constant 30 : index
      %get3A_349 = arith.constant 0 : index
      %get3A_350 = vector.load %arg1[%get3A_348, %get3A_349] : memref<40x64xf32, #tpu.memory_space<vmem>>, vector<1x64xf32>
      %get3A_351 = arith.constant 30 : index
      %get3A_352 = arith.constant 0 : index
      %get3A_353 = arith.constant 0 : index
      %get3A_354 = vector.load %arg2[%get3A_351, %get3A_352, %get3A_353] : memref<40x64x128xf32, #tpu.memory_space<vmem>>, vector<1x64x128xf32>
      %get3A_355 = vector.shape_cast %get3A_354 : vector<1x64x128xf32> to vector<64x128xf32>
      %dot_general3A_356 = arith.constant dense<0.000000e+00> : vector<1x128xf32>
      %dot_general3A_357 = tpu.matmul %get3A_350, %get3A_355, %dot_general3A_356 {dimension_numbers = #tpu.dot_dimension_numbers<[1], [0], [0], [1], [0, 0, 1, 1], [], []>, transpose_lhs_hint = false} : vector<1x64xf32>, vector<64x128xf32>, vector<1x128xf32> -> vector<1x128xf32>
      %add3A_358 = arith.addf %add3A_347, %dot_general3A_357 : vector<1x128xf32>
      %get3A_359 = arith.constant 31 : index
      %get3A_360 = arith.constant 0 : index
      %get3A_361 = vector.load %arg1[%get3A_359, %get3A_360] : memref<40x64xf32, #tpu.memory_space<vmem>>, vector<1x64xf32>
      %get3A_362 = arith.constant 31 : index
      %get3A_363 = arith.constant 0 : index
      %get3A_364 = arith.constant 0 : index
      %get3A_365 = vector.load %arg2[%get3A_362, %get3A_363, %get3A_364] : memref<40x64x128xf32, #tpu.memory_space<vmem>>, vector<1x64x128xf32>
      %get3A_366 = vector.shape_cast %get3A_365 : vector<1x64x128xf32> to vector<64x128xf32>
      %dot_general3A_367 = arith.constant dense<0.000000e+00> : vector<1x128xf32>
      %dot_general3A_368 = tpu.matmul %get3A_361, %get3A_366, %dot_general3A_367 {dimension_numbers = #tpu.dot_dimension_numbers<[1], [0], [0], [1], [0, 0, 1, 1], [], []>, transpose_lhs_hint = false} : vector<1x64xf32>, vector<64x128xf32>, vector<1x128xf32> -> vector<1x128xf32>
      %add3A_369 = arith.addf %add3A_358, %dot_general3A_368 : vector<1x128xf32>
      %get3A_370 = arith.constant 32 : index
      %get3A_371 = arith.constant 0 : index
      %get3A_372 = vector.load %arg1[%get3A_370, %get3A_371] : memref<40x64xf32, #tpu.memory_space<vmem>>, vector<1x64xf32>
      %get3A_373 = arith.constant 32 : index
      %get3A_374 = arith.constant 0 : index
      %get3A_375 = arith.constant 0 : index
      %get3A_376 = vector.load %arg2[%get3A_373, %get3A_374, %get3A_375] : memref<40x64x128xf32, #tpu.memory_space<vmem>>, vector<1x64x128xf32>
      %get3A_377 = vector.shape_cast %get3A_376 : vector<1x64x128xf32> to vector<64x128xf32>
      %dot_general3A_378 = arith.constant dense<0.000000e+00> : vector<1x128xf32>
      %dot_general3A_379 = tpu.matmul %get3A_372, %get3A_377, %dot_general3A_378 {dimension_numbers = #tpu.dot_dimension_numbers<[1], [0], [0], [1], [0, 0, 1, 1], [], []>, transpose_lhs_hint = false} : vector<1x64xf32>, vector<64x128xf32>, vector<1x128xf32> -> vector<1x128xf32>
      %add3A_380 = arith.addf %add3A_369, %dot_general3A_379 : vector<1x128xf32>
      %get3A_381 = arith.constant 33 : index
      %get3A_382 = arith.constant 0 : index
      %get3A_383 = vector.load %arg1[%get3A_381, %get3A_382] : memref<40x64xf32, #tpu.memory_space<vmem>>, vector<1x64xf32>
      %get3A_384 = arith.constant 33 : index
      %get3A_385 = arith.constant 0 : index
      %get3A_386 = arith.constant 0 : index
      %get3A_387 = vector.load %arg2[%get3A_384, %get3A_385, %get3A_386] : memref<40x64x128xf32, #tpu.memory_space<vmem>>, vector<1x64x128xf32>
      %get3A_388 = vector.shape_cast %get3A_387 : vector<1x64x128xf32> to vector<64x128xf32>
      %dot_general3A_389 = arith.constant dense<0.000000e+00> : vector<1x128xf32>
      %dot_general3A_390 = tpu.matmul %get3A_383, %get3A_388, %dot_general3A_389 {dimension_numbers = #tpu.dot_dimension_numbers<[1], [0], [0], [1], [0, 0, 1, 1], [], []>, transpose_lhs_hint = false} : vector<1x64xf32>, vector<64x128xf32>, vector<1x128xf32> -> vector<1x128xf32>
      %add3A_391 = arith.addf %add3A_380, %dot_general3A_390 : vector<1x128xf32>
      %get3A_392 = arith.constant 34 : index
      %get3A_393 = arith.constant 0 : index
      %get3A_394 = vector.load %arg1[%get3A_392, %get3A_393] : memref<40x64xf32, #tpu.memory_space<vmem>>, vector<1x64xf32>
      %get3A_395 = arith.constant 34 : index
      %get3A_396 = arith.constant 0 : index
      %get3A_397 = arith.constant 0 : index
      %get3A_398 = vector.load %arg2[%get3A_395, %get3A_396, %get3A_397] : memref<40x64x128xf32, #tpu.memory_space<vmem>>, vector<1x64x128xf32>
      %get3A_399 = vector.shape_cast %get3A_398 : vector<1x64x128xf32> to vector<64x128xf32>
      %dot_general3A_400 = arith.constant dense<0.000000e+00> : vector<1x128xf32>
      %dot_general3A_401 = tpu.matmul %get3A_394, %get3A_399, %dot_general3A_400 {dimension_numbers = #tpu.dot_dimension_numbers<[1], [0], [0], [1], [0, 0, 1, 1], [], []>, transpose_lhs_hint = false} : vector<1x64xf32>, vector<64x128xf32>, vector<1x128xf32> -> vector<1x128xf32>
      %add3A_402 = arith.addf %add3A_391, %dot_general3A_401 : vector<1x128xf32>
      %get3A_403 = arith.constant 35 : index
      %get3A_404 = arith.constant 0 : index
      %get3A_405 = vector.load %arg1[%get3A_403, %get3A_404] : memref<40x64xf32, #tpu.memory_space<vmem>>, vector<1x64xf32>
      %get3A_406 = arith.constant 35 : index
      %get3A_407 = arith.constant 0 : index
      %get3A_408 = arith.constant 0 : index
      %get3A_409 = vector.load %arg2[%get3A_406, %get3A_407, %get3A_408] : memref<40x64x128xf32, #tpu.memory_space<vmem>>, vector<1x64x128xf32>
      %get3A_410 = vector.shape_cast %get3A_409 : vector<1x64x128xf32> to vector<64x128xf32>
      %dot_general3A_411 = arith.constant dense<0.000000e+00> : vector<1x128xf32>
      %dot_general3A_412 = tpu.matmul %get3A_405, %get3A_410, %dot_general3A_411 {dimension_numbers = #tpu.dot_dimension_numbers<[1], [0], [0], [1], [0, 0, 1, 1], [], []>, transpose_lhs_hint = false} : vector<1x64xf32>, vector<64x128xf32>, vector<1x128xf32> -> vector<1x128xf32>
      %add3A_413 = arith.addf %add3A_402, %dot_general3A_412 : vector<1x128xf32>
      %get3A_414 = arith.constant 36 : index
      %get3A_415 = arith.constant 0 : index
      %get3A_416 = vector.load %arg1[%get3A_414, %get3A_415] : memref<40x64xf32, #tpu.memory_space<vmem>>, vector<1x64xf32>
      %get3A_417 = arith.constant 36 : index
      %get3A_418 = arith.constant 0 : index
      %get3A_419 = arith.constant 0 : index
      %get3A_420 = vector.load %arg2[%get3A_417, %get3A_418, %get3A_419] : memref<40x64x128xf32, #tpu.memory_space<vmem>>, vector<1x64x128xf32>
      %get3A_421 = vector.shape_cast %get3A_420 : vector<1x64x128xf32> to vector<64x128xf32>
      %dot_general3A_422 = arith.constant dense<0.000000e+00> : vector<1x128xf32>
      %dot_general3A_423 = tpu.matmul %get3A_416, %get3A_421, %dot_general3A_422 {dimension_numbers = #tpu.dot_dimension_numbers<[1], [0], [0], [1], [0, 0, 1, 1], [], []>, transpose_lhs_hint = false} : vector<1x64xf32>, vector<64x128xf32>, vector<1x128xf32> -> vector<1x128xf32>
      %add3A_424 = arith.addf %add3A_413, %dot_general3A_423 : vector<1x128xf32>
      %get3A_425 = arith.constant 37 : index
      %get3A_426 = arith.constant 0 : index
      %get3A_427 = vector.load %arg1[%get3A_425, %get3A_426] : memref<40x64xf32, #tpu.memory_space<vmem>>, vector<1x64xf32>
      %get3A_428 = arith.constant 37 : index
      %get3A_429 = arith.constant 0 : index
      %get3A_430 = arith.constant 0 : index
      %get3A_431 = vector.load %arg2[%get3A_428, %get3A_429, %get3A_430] : memref<40x64x128xf32, #tpu.memory_space<vmem>>, vector<1x64x128xf32>
      %get3A_432 = vector.shape_cast %get3A_431 : vector<1x64x128xf32> to vector<64x128xf32>
      %dot_general3A_433 = arith.constant dense<0.000000e+00> : vector<1x128xf32>
      %dot_general3A_434 = tpu.matmul %get3A_427, %get3A_432, %dot_general3A_433 {dimension_numbers = #tpu.dot_dimension_numbers<[1], [0], [0], [1], [0, 0, 1, 1], [], []>, transpose_lhs_hint = false} : vector<1x64xf32>, vector<64x128xf32>, vector<1x128xf32> -> vector<1x128xf32>
      %add3A_435 = arith.addf %add3A_424, %dot_general3A_434 : vector<1x128xf32>
      %get3A_436 = arith.constant 38 : index
      %get3A_437 = arith.constant 0 : index
      %get3A_438 = vector.load %arg1[%get3A_436, %get3A_437] : memref<40x64xf32, #tpu.memory_space<vmem>>, vector<1x64xf32>
      %get3A_439 = arith.constant 38 : index
      %get3A_440 = arith.constant 0 : index
      %get3A_441 = arith.constant 0 : index
      %get3A_442 = vector.load %arg2[%get3A_439, %get3A_440, %get3A_441] : memref<40x64x128xf32, #tpu.memory_space<vmem>>, vector<1x64x128xf32>
      %get3A_443 = vector.shape_cast %get3A_442 : vector<1x64x128xf32> to vector<64x128xf32>
      %dot_general3A_444 = arith.constant dense<0.000000e+00> : vector<1x128xf32>
      %dot_general3A_445 = tpu.matmul %get3A_438, %get3A_443, %dot_general3A_444 {dimension_numbers = #tpu.dot_dimension_numbers<[1], [0], [0], [1], [0, 0, 1, 1], [], []>, transpose_lhs_hint = false} : vector<1x64xf32>, vector<64x128xf32>, vector<1x128xf32> -> vector<1x128xf32>
      %add3A_446 = arith.addf %add3A_435, %dot_general3A_445 : vector<1x128xf32>
      %get3A_447 = arith.constant 39 : index
      %get3A_448 = arith.constant 0 : index
      %get3A_449 = vector.load %arg1[%get3A_447, %get3A_448] : memref<40x64xf32, #tpu.memory_space<vmem>>, vector<1x64xf32>
      %get3A_450 = arith.constant 39 : index
      %get3A_451 = arith.constant 0 : index
      %get3A_452 = arith.constant 0 : index
      %get3A_453 = vector.load %arg2[%get3A_450, %get3A_451, %get3A_452] : memref<40x64x128xf32, #tpu.memory_space<vmem>>, vector<1x64x128xf32>
      %get3A_454 = vector.shape_cast %get3A_453 : vector<1x64x128xf32> to vector<64x128xf32>
      %dot_general3A_455 = arith.constant dense<0.000000e+00> : vector<1x128xf32>
      %dot_general3A_456 = tpu.matmul %get3A_449, %get3A_454, %dot_general3A_455 {dimension_numbers = #tpu.dot_dimension_numbers<[1], [0], [0], [1], [0, 0, 1, 1], [], []>, transpose_lhs_hint = false} : vector<1x64xf32>, vector<64x128xf32>, vector<1x128xf32> -> vector<1x128xf32>
      %add3A_457 = arith.addf %add3A_446, %dot_general3A_456 : vector<1x128xf32>
      %max3A = arith.constant 0.000000e+00 : f32
      %max3A_458 = vector.broadcast %max3A : f32 to vector<1x128xf32>
      %max3A_459 = arith.maximumf %add3A_457, %max3A_458 : vector<1x128xf32>
      %swap3A_460 = arith.constant 0 : index
      %swap3A_461 = arith.constant 0 : index
      %swap3A_462 = vector.load %arg7[%swap3A_460, %swap3A_461] : memref<1x128xf32, #tpu.memory_space<vmem>>, vector<1x128xf32>
      tpu.vector_store %arg7[%swap3A_460, %swap3A_461], %max3A_459 {strides = array<i32>} : memref<1x128xf32, #tpu.memory_space<vmem>>, vector<1x128xf32>,
    } else {
    }
    %get3A = arith.constant 0 : index
    %get3A_2 = arith.constant 0 : index
    %get3A_3 = vector.load %arg7[%get3A, %get3A_2] : memref<1x128xf32, #tpu.memory_space<vmem>>, vector<1x128xf32>
    %get3A_4 = arith.constant 0 : index
    %get3A_5 = arith.constant 0 : index
    %get3A_6 = vector.load %arg5[%get3A_4, %get3A_5] : memref<128x16384xf32, #tpu.memory_space<vmem>>, vector<128x16384xf32>
    %dot_general3A = arith.constant dense<0.000000e+00> : vector<1x16384xf32>
    %dot_general3A_7 = tpu.matmul %get3A_3, %get3A_6, %dot_general3A {dimension_numbers = #tpu.dot_dimension_numbers<[1], [0], [0], [1], [0, 0, 1, 1], [], []>, transpose_lhs_hint = false} : vector<1x128xf32>, vector<128x16384xf32>, vector<1x16384xf32> -> vector<1x16384xf32>
    %mul3A = arith.constant 16384 : i32
    %mul3A_8 = arith.muli %arg0, %mul3A : i32
    %multiple_of3A = tpu.assume_multiple %mul3A_8, 16384 : i32
    %swap3A = arith.constant 0 : index
    %swap3A_9 = arith.index_cast %multiple_of3A : i32 to index
    %swap3A_10 = vector.load %arg6[%swap3A, %swap3A_9] : memref<1x114688xf32, #tpu.memory_space<vmem>>, vector<1x16384xf32>
    tpu.vector_store %arg6[%swap3A, %swap3A_9], %dot_general3A_7 {strides = array<i32>} : memref<1x114688xf32, #tpu.memory_space<vmem>>, vector<1x16384xf32>,
    %eq3A_11 = arith.constant 6 : i32
    %eq3A_12 = arith.cmpi eq, %arg0, %eq3A_11 : i32
    %convert_element_type3A_13 = arith.extui %eq3A_12 : i1 to i32
    %cond3A_14 = arith.constant 0 : i32
    %cond3A_15 = arith.cmpi ne, %convert_element_type3A_13, %cond3A_14 : i32
    scf.if %cond3A_15 {
      %get3A_16 = arith.constant 0 : index
      %get3A_17 = arith.constant 0 : index
      %get3A_18 = vector.load %arg6[%get3A_16, %get3A_17] : memref<1x114688xf32, #tpu.memory_space<vmem>>, vector<1x100000xf32>
      %get3A_19 = arith.constant 0 : index
      %get3A_20 = arith.constant 0 : index
      %get3A_21 = vector.load %arg4[%get3A_19, %get3A_20] : memref<1x100000xf32, #tpu.memory_space<vmem>>, vector<1x100000xf32>
      %add3A = arith.addf %get3A_18, %get3A_21 : vector<1x100000xf32>
      %reduce_max3A = vector.shape_cast %add3A : vector<1x100000xf32> to vector<1x1x100000xf32>
      %reduce_max3A_22 = arith.constant dense<0xFF800000> : vector<1xf32>
      %reduce_max3A_23 = vector.multi_reduction <maximumf>, %reduce_max3A, %reduce_max3A_22 [1, 2] : vector<1x1x100000xf32> to vector<1xf32>
      %reduce_max3A_24 = vector.shape_cast %reduce_max3A_23 : vector<1xf32> to vector<1x1x1xf32>
      %reduce_max3A_25 = vector.extract %reduce_max3A_24[0, 0, 0] : f32 from vector<1x1x1xf32>
      %sub3A = vector.broadcast %reduce_max3A_25 : f32 to vector<1x100000xf32>
      %sub3A_26 = arith.subf %add3A, %sub3A : vector<1x100000xf32>
      %exp3A = math.exp %sub3A_26 : vector<1x100000xf32>
      %reduce_sum3A = vector.shape_cast %exp3A : vector<1x100000xf32> to vector<1x1x100000xf32>
      %reduce_sum3A_27 = arith.constant dense<0.000000e+00> : vector<1xf32>
      %reduce_sum3A_28 = vector.multi_reduction <add>, %reduce_sum3A, %reduce_sum3A_27 [1, 2] : vector<1x1x100000xf32> to vector<1xf32>
      %reduce_sum3A_29 = vector.shape_cast %reduce_sum3A_28 : vector<1xf32> to vector<1x1x1xf32>
      %reduce_sum3A_30 = vector.extract %reduce_sum3A_29[0, 0, 0] : f32 from vector<1x1x1xf32>
      %log3A = math.log %reduce_sum3A_30 : f32
      %add3A_31 = arith.addf %reduce_max3A_25, %log3A : f32
      %sub3A_32 = vector.broadcast %add3A_31 : f32 to vector<1x100000xf32>
      %sub3A_33 = arith.subf %add3A, %sub3A_32 : vector<1x100000xf32>
      %swap3A_34 = arith.constant 0 : index
      %swap3A_35 = arith.constant 0 : index
      %swap3A_36 = vector.load %arg6[%swap3A_34, %swap3A_35] : memref<1x114688xf32, #tpu.memory_space<vmem>>, vector<1x100000xf32>
      tpu.vector_store %arg6[%swap3A_34, %swap3A_35], %sub3A_33 {strides = array<i32>} : memref<1x114688xf32, #tpu.memory_space<vmem>>, vector<1x100000xf32>,
    } else {
    }
    return
  }
  func.func @transform_0(%arg0: i32) -> (i32, i32) {
    %c0_i32 = arith.constant 0 : i32
    %c0_i32_0 = arith.constant 0 : i32
    %c0_i32_1 = arith.constant 0 : i32
    return %c0_i32, %c0_i32_0 : i32, i32
  }
  func.func @transform_1(%arg0: i32) -> (i32, i32, i32) {
    %c0_i32 = arith.constant 0 : i32
    %c0_i32_0 = arith.constant 0 : i32
    %c0_i32_1 = arith.constant 0 : i32
    %c0_i32_2 = arith.constant 0 : i32
    return %c0_i32, %c0_i32_0, %c0_i32_1 : i32, i32, i32
  }
  func.func @transform_2(%arg0: i32) -> (i32, i32) {
    %c0_i32 = arith.constant 0 : i32
    %c0_i32_0 = arith.constant 0 : i32
    %c0_i32_1 = arith.constant 0 : i32
    return %c0_i32, %c0_i32_0 : i32, i32
  }
  func.func @transform_3(%arg0: i32) -> (i32, i32) {
    %c0_i32 = arith.constant 0 : i32
    %c0_i32_0 = arith.constant 0 : i32
    %c0_i32_1 = arith.constant 0 : i32
    return %c0_i32, %c0_i32_0 : i32, i32
  }
  func.func @transform_4(%arg0: i32) -> (i32, i32) {
    %c0_i32 = arith.constant 0 : i32
    %c0_i32_0 = arith.constant 0 : i32
    return %c0_i32, %arg0 : i32, i32
  }
  func.func @transform_5(%arg0: i32) -> (i32, i32) {
    %c0_i32 = arith.constant 0 : i32
    %c0_i32_0 = arith.constant 0 : i32
    %c0_i32_1 = arith.constant 0 : i32
    return %c0_i32, %c0_i32_0 : i32, i32
  }
}

</mosaic_0001>

<sc_bundles>
// kernel: kernel.4.cloned.1.call-start
scs
__scs_entry_jumppad:
0x0: {  	(pc) =	sbr.rel $0x88, $3  }
0x1: {  	(tag) =	ssettag $0x0;
	lr =	simm.s32 $0x1  }
0x2: {  	[smem:$0x3F9B] =	sst lr;
	_ =	strace $0xD0000000  }
0x3: {  	_ = 	snop  }
0x4: {  	_ = 	snop  }
0x5: {  	_ = 	snop  }
0x6: {  	_ = 	snop  }
0x7: {  	_ = 	snop  }
__scs_overlays_trampoline_lowered:
0x8: {  	[smem:$0x3FAA] =	sst s0  }
0x9: {  	[smem:$0x3FAB] =	sst s1  }
0xa: {  	[smem:$0x3FAC] =	sst s2  }
0xb: {  	[smem:$0x3FAD] =	sst s3  }
0xc: {  	[smem:$0x3FAE] =	sst s4  }
0xd: {  	[smem:$0x3FAF] =	sst s5  }
0xe: {  	[smem:$0x3FB0] =	sst s6  }
0xf: {  	[smem:$0x3FB1] =	sst s7  }
0x10: {  	[smem:$0x3FB2] =	sst s8  }
0x11: {  	[smem:$0x3FB3] =	sst s9;
	s0 =	simm.s32 @!p0 $0x0  }
0x12: {  	s1 =	sld [smem:$0x3F99];
	s0 =	simm.s32 @p0 $0x1  }
0x13: {  	[smem:$0x3FB4] =	sst s0;
	s0 =	simm.s32 @!p1 $0x0  }
0x14: {  	s2 =	sld [smem:$0x3F98];
	s0 =	simm.s32 @p1 $0x1  }
0x15: {  	[smem:$0x3FB5] =	sst s0;
	s0 =	simm.s32 @!p2 $0x0  }
0x16: {  	s3 =	sld [smem:$0x3FDB];
	s0 =	simm.s32 @p2 $0x1  }
0x17: {  	s4 =	simm.s32 $0x1BF5;
	[smem:$0x3FB7] =	sst s0  }
0x18: {  	s0 =	sld [smem:$0x3F9A];
	_ =	swait.ge [sflag:s4], $0x0  }
0x19: {  	s7 =	sld [smem:$0x3F9B]  }
0x1a: {  	s8 =	sadd.s32 $0xFFFFE003, lr  }
0x1b: {  	s9 =	sadd.s32 $0xFFFFFEF7, lr;
	s5 =	simm.s32 $0xFFFFFFFF;
	p2 =	slt.u32 s8, $0xFFFFF086  }
0x1c: {  	p1 =	slt.u32 s9, $0xF7A;
	s5 =	simm.s32 @!p2 $0x0  }
0x1d: {  	s5 =	simm.s32 @p1 $0x1;
	p0 =	seq.s32 s7, s2  }
0x1e: {  	s7 =	smul.u32 @!p0 $0xF7A, s2;
	p2 =	seq.s32 @!p0 s5, $0x0  }
0x1f: {  	s9 =	smul.u32 $0xF7A, s1;
	s8 =	simm.s32 @!p0 $0x1BF5;
	p2 =	por !p2, p0  }
0x20: {  	[sflag:s8] =	ssyncset.s32 @!p0 $0xFFFFF086;
	s6 =	sadd.s32 @!p0 s3, s7;
	s7 =	simm.s32 @!p0 $0x108  }
0x21: {  	s3 =	sadd.s32 s3, s9;
	s6 =	sadd.s32 @!p0 $0x88, s6;
	s7 =	simm.s32 @p2 $0x1082  }
0x22: {  	[simem:s7], [sflag:s8] =	dma.local @!p0 [hbm:s6], $0xF7A  }
0x23: {  	s9 =	sor.u32 $0xD0000000, s2;
	s6 =	simm.s32 $0x108;
	_ =	swait.ge @!p0 [sflag:s8], $0x0  }
0x24: {  	s3 =	sadd.s32 $0x88, s3;
	s6 =	simm.s32 @!p1 $0x1082;
	[sflag:s4] =	ssyncset.s32 $0xFFFFF086  }
0x25: {  	[simem:s6], [sflag:s4] =	dma.local [hbm:s3], $0xF7A  }
0x26: {  	[smem:$0x3F9B] =	sst s1;
	(tag) =	ssettag s2;
	_ =	strace s9  }
0x27: {  	s1 =	sld [smem:$0x3FAB]  }
0x28: {  	s2 =	sld [smem:$0x3FAC]  }
0x29: {  	s4 =	sld [smem:$0x3FAE]  }
0x2a: {  	p0 =	seq.s32 s5, $0x0;
	s5 =	sld [smem:$0x3FAF]  }
0x2b: {  	s6 =	sld [smem:$0x3FB0]  }
0x2c: {  	s7 =	sld [smem:$0x3FB1]  }
0x2d: {  	s3 =	simm.s32 $0x108;
	s8 =	sld [smem:$0x3FB2]  }
0x2e: {  	s3 =	simm.s32 @!p0 $0x1082;
	s9 =	sld [smem:$0x3FB3]  }
0x2f: {  	lr =	sadd.s32 s0, s3;
	s0 =	sld [smem:$0x3FAA]  }
0x30: {  	s3 =	sld [smem:$0x3FAD]  }
0x31: {  	[smem:$0x3FB6] =	sst s10  }
0x32: {  	s10 =	sld [smem:$0x3FB4];
	_ =	sdelay $0x3  }
0x33: {  	p0 =	seq.s32 s10, $0x1;
	s10 =	sld [smem:$0x3FB6];
	_ =	sdelay $0x3  }
0x34: {  	[smem:$0x3FB6] =	sst s10  }
0x35: {  	s10 =	sld [smem:$0x3FB5];
	_ =	sdelay $0x3  }
0x36: {  	p1 =	seq.s32 s10, $0x1;
	s10 =	sld [smem:$0x3FB6];
	_ =	sdelay $0x3  }
0x37: {  	[smem:$0x3FB6] =	sst s10  }
0x38: {  	s10 =	sld [smem:$0x3FB7]  }
0x39: {  	_ = 	snop;
	(pc) =	sbr.ind lr, $3  }
0x3a: {  	_ = 	snop  }
0x3b: {  	_ = 	snop  }
0x3c: {  	p2 =	seq.s32 s10, $0x1;
	s10 =	sld [smem:$0x3FB6]  }
0x3d: {  	_ =	shalt  }
0x3e: {  	_ =	shalt  }
0x3f: {  	_ =	shalt  }
0x40: {  	_ =	shalt  }
0x41: {  	_ =	shalt  }
0x42: {  	_ =	shalt  }
0x43: {  	_ =	shalt  }
0x44: {  	_ =	shalt  }
0x45: {  	_ =	shalt  }
0x46: {  	_ =	shalt  }
0x47: {  	_ =	shalt  }
0x48: {  	_ =	shalt  }
0x49: {  	_ =	shalt  }
0x4a: {  	_ =	shalt  }
0x4b: {  	_ =	shalt  }
0x4c: {  	_ =	shalt  }
0x4d: {  	_ =	shalt  }
0x4e: {  	_ =	shalt  }
0x4f: {  	_ =	shalt  }
0x50: {  	_ =	shalt  }
0x51: {  	_ =	shalt  }
0x52: {  	_ =	shalt  }
0x53: {  	_ =	shalt  }
0x54: {  	_ =	shalt  }
0x55: {  	_ =	shalt  }
0x56: {  	_ =	shalt  }
0x57: {  	_ =	shalt  }
0x58: {  	_ =	shalt  }
0x59: {  	_ =	shalt  }
0x5a: {  	_ =	shalt  }
0x5b: {  	_ =	shalt  }
0x5c: {  	_ =	shalt  }
0x5d: {  	_ =	shalt  }
0x5e: {  	_ =	shalt  }
0x5f: {  	_ =	shalt  }
0x60: {  	_ =	shalt  }
0x61: {  	_ =	shalt  }
0x62: {  	_ =	shalt  }
0x63: {  	_ =	shalt  }
0x64: {  	_ =	shalt  }
0x65: {  	_ =	shalt  }
0x66: {  	_ =	shalt  }
0x67: {  	_ =	shalt  }
0x68: {  	_ =	shalt  }
0x69: {  	_ =	shalt  }
0x6a: {  	_ =	shalt  }
0x6b: {  	_ =	shalt  }
0x6c: {  	_ =	shalt  }
0x6d: {  	_ =	shalt  }
0x6e: {  	_ =	shalt  }
0x6f: {  	_ =	shalt  }
0x70: {  	_ =	shalt  }
0x71: {  	_ =	shalt  }
0x72: {  	_ =	shalt  }
0x73: {  	_ =	shalt  }
0x74: {  	_ =	shalt  }
0x75: {  	_ =	shalt  }
0x76: {  	_ =	shalt  }
0x77: {  	_ =	shalt  }
0x78: {  	_ =	shalt  }
0x79: {  	_ =	shalt  }
0x7a: {  	_ =	shalt  }
0x7b: {  	_ =	shalt  }
0x7c: {  	_ =	shalt  }
0x7d: {  	_ =	shalt  }
0x7e: {  	_ =	shalt  }
0x7f: {  	_ =	shalt  }
0x80: {  	_ =	shalt  }
0x81: {  	_ =	shalt  }
0x82: {  	_ =	shalt  }
0x83: {  	_ =	shalt  }
0x84: {  	_ =	shalt  }
0x85: {  	_ =	shalt  }
0x86: {  	_ =	shalt  }
0x87: {  	_ =	shalt  }
.Lfunc_end0:
.L_simem_size_0:
called_computation_lowered:
.L_overlay_start_0:
0x88: {  	s2 =	sld [smem:$0x3FD9]  }
0x89: {  	s3 =	sld [smem:$0x3FFE];
	_ =	sdelay $0x1  }
0x8a: {  	s1 =	srdreg.scid  }
0x8b: {  	s0 =	sand.u32 $0x1, s1  }
0x8c: {  	s17 =	sshll.u32 s0, $0xA;
	s2 =	sadd.s32 s3, s2  }
0x8d: {  	s2 =	sadd.s32 s2, s17  }
0x8e: {  	[smem:$0x3FC2] =	sst s2  }
0x8f: {  	_ = 	snop  }
0x90: {  	s2 =	sld [smem:$0x3FC9]  }
0x91: {  	s18 =	sld [smem:$0x3FD0];
	(tm) =	ssettm $0x1  }
0x92: {  	s4 =	sld [smem:$0x3FFB];
	_ =	sdelay $0x3  }
0x93: {  	_ =	strace s4  }
0x94: {  	s4 =	sld [smem:$0x3FFC];
	_ =	sdelay $0x3  }
0x95: {  	_ =	strace s4  }
0x96: {  	s4 =	sld [smem:$0x3FFD];
	_ =	sdelay $0x3  }
0x97: {  	_ =	strace s4  }
0x98: {  	_ =	strace $0x8FFFFFFF  }
0x99: {  	s19 =	sld [smem:$0x3FDB];
	_ =	sdelay $0x1  }
0x9a: {  	s5 =	simm.s32 $_scs_section_size  }
0x9b: {  	s6 =	simm.s32 $_size__tile_overlayer_lowered;
	s7 =	simm.s32 $_tile_overlayer_lowered  }
0x9c: {  	s22 =	simm.s32 $0x1BFF;
	s21 =	sshll.u32 s7, $0x1;
	s4 =	sadd.s32 s5, s19  }
0x9d: {  	s8 =	simm.s32 $0x0;
	s20 =	sshll.u32 s6, $0x1;
	s6 =	sadd.s32 s21, s4  }
0x9e: {  	[timem:s8], [sflag:s22] =	dma.local [hbm:s6], s20  }
0x9f: {  	_ =	swait.ge [sflag:s22], s20  }
0xa0: {  	s5 =	ssub.s32 $0x0, s20;
	[sflag:s22] =	ssyncset.done $0x0  }
0xa1: {  	[sflag:s22] =	ssyncadd.s32 s5;
	_ =	sdelay $0x1  }
0xa2: {  	s23 =	simm.s32 $0x1B8B  }
0xa3: {  	_ =	swait.ge [sflag:s23], $0x1  }
0xa4: {  	[sflag:s23] =	ssyncset.done $0x0  }
0xa5: {  	s25 =	simm.s32 $0x1B8E;
	s24 =	sld [smem:$0x3FFE];
	[sflag:s23] =	ssyncadd.s32 $0xFFFFFFFF  }
0xa6: {  	s26 =	simm.s32 $execute0_lowered;
	[smem:$0x3FD2] =	sst s25  }
0xa7: {  	s6 =	sshll.u32 s26, $0x1;
	_ =	strace $0x80000046;
	[dreg:$0x1] =	wrdreg $0xFFFFFFFF  }
0xa8: {  	s28 =	simm.s32 $_size_execute0_lowered;
	s4 =	sadd.s32 s4, s6;
	[dreg:$0x0] =	wrdreg $0x0  }
0xa9: {  	s6 =	sshll.u32 s28, $0x1;
	[dreg:$0x2] =	wrdreg s4  }
0xaa: {  	[dreg:$0x3] =	wrdreg s6  }
0xab: {  	[dreg:$0x4] =	wrdreg $0xC0  }
0xac: {  	_ =	task [dreg:s8], $0x5FFFF  }
0xad: {  	[dreg:$0x1] =	wrdreg $0xFFFFFFFF  }
0xae: {  	[dreg:$0x0] =	wrdreg $0x60  }
0xaf: {  	[dreg:$0x2] =	wrdreg s24  }
0xb0: {  	[dreg:$0x3] =	wrdreg s2  }
0xb1: {  	[dreg:$0x4] =	wrdreg s18  }
0xb2: {  	[dreg:$0x5] =	wrdreg $0x9  }
0xb3: {  	_ =	task.clear_ibuf [dreg:s8], $0x6FFFF;
	_ =	strace $0x90000046  }
0xb4: {  	s29 =	simm.s32 $0x9;
	_ =	strace $0x80000048  }
0xb5: {  	_ =	swait.ge [sflag:s29], $0x1  }
0xb6: {  	[sflag:s29] =	ssyncadd.s32 $0xFFFFFFFF  }
0xb7: {  	_ =	strace $0x90000048  }
0xb8: {  	_ =	sfence  }
0xb9: {  	s30 =	sld [smem:$0x0];
	_ =	sdelay $0x2  }
0xba: {  	s31 =	sshll.u32 s1, $0xD;
	s1 =	sshrl.u32 s1, $0x2  }
0xbb: {  	s3 =	sand.u32 $0x4000, s31;
	s1 =	sadd.s32 s1, s30  }
0xbc: {  	s0 =	sor.u32 s3, s0;
	s1 =	sshll.u32 s1, $0x11  }
0xbd: {  	s0 =	sor.u32 s1, s0  }
0xbe: {  	s0 =	sadd.s32 $0x8F2B, s0  }
0xbf: {  	[sflag:s0] =	ssyncadd.remote.s32 $0x1  }
0xc0: {  	_ =	sfence.sel $0xFFFF  }
0xc1: {  	[dreg:$0x0] =	wrdreg $0xFFFFFFFF;
	(pc) =	sbr.abs _section_cstart, $3  }
0xc2: {  	[dreg:$0x1] =	wrdreg $0xFFFFFFFF  }
0xc3: {  	_ =	task.clear_ibuf [dreg:s8], $0x2FFFF;
	_ =	strace $0x9FFFFFFF  }
0xc4: {  	(tm) =	ssettm $0x7FFFFFFF  }
0xc5: {  	_ =	shalt  }
tec
execute0_lowered:
.L_overlay_start_1:
0x0: {  	(tag) =	ssettag $0x1  }
0x1: {  	s1 =	srdreg.scid;
	s0 =	stileid.u32  }
0x2: {  	s5 =	sand.u32 $0x1, s1;
	s7 =	sshll.u32 s0, $0x1  }
0x3: {  	s7 =	sor.u32 s5, s7  }
0x4: {  	p0 =	sgt.u32 s7, $0x4  }
.Ltmp0:
0x5: {  	s4 =	rddreg [dreg:$0x0];
	(pc) =	sbr.rel @p0 .LBB2_4-.Ltmp0, $4  }
0x6: {  	s3 =	rddreg [dreg:$0x1]  }
0x7: {  	s6 =	rddreg [dreg:$0x2];
	s2 =	simm.s32 $0x0  }
0x8: {  	[smem:$0x7FF] =	sst s2  }
0x9: {  	s1 =	rddreg [dreg:$0x3];
	_ =	strace $0x80000047  }
0xa: {  	s3 =	sadd.s32 s3, s7  }
0xb: {  	s21 =	simm.s32 $0x100;
	[dreg:$0x4] =	wrdreg s3  }
0xc: {  	s22 =	simm.s32 $0x180;
	[dreg:$0x5] =	wrdreg s21  }
0xd: {  	s23 =	simm.s32 $0x200;
	[dreg:$0x6] =	wrdreg s22  }
0xe: {  	s24 =	simm.s32 $0x280;
	[dreg:$0x7] =	wrdreg s23  }
0xf: {  	s25 =	simm.s32 $0x300;
	[dreg:$0x8] =	wrdreg s24  }
0x10: {  	s26 =	simm.s32 $0x380;
	[dreg:$0x9] =	wrdreg s25  }
0x11: {  	s8 =	sshll.u32 s7, $0x7;
	s29 =	simm.s32 $0x400;
	[dreg:$0xa] =	wrdreg s26  }
0x12: {  	s6 =	sadd.s32 s6, s8;
	[dreg:$0xb] =	wrdreg s29  }
0x13: {  	[dreg:$0xc] =	wrdreg s6  }
0x14: {  	s3 =	simm.s32 $0x2;
	s28 =	rddreg [dreg:$0x4]  }
0x15: {  	[tilespmem:s2], [sflag:$0x2] =	stream.linear.gather [hbm4b:s28+s2], $0x8, $0x38;
	[tilespmem:$0x480] =	vst v63  }
0x16: {  	_ =	swait.ge [sflag:s3], $0x8  }
0x17: {  	s5 =	ssub.s32 $0x2, s5;
	[sflag:s3] =	ssyncset.done $0x0  }
0x18: {  	s30 =	sshrl.u32 s5, $0x1;
	[sflag:s3] =	ssyncadd.s32 $0xFFFFFFF8  }
0x19: {  	s5 =	ssub.s32 s5, s30;
	v0 =	vld [tilespmem:$0x0]  }
0x1a: {  	s31 =	smax.u32 s5, $0x1  }
0x1b: {  	p0 =	sne.s32 s31, $0x1  }
.Ltmp1:
0x1c: {  	_ = 	snop;
	(pc) =	sbr.rel @!p0 .LBB2_3-.Ltmp1, $4  }
0x1d: {  	_ = 	snop  }
0x1e: {  	(v2sf) =	vpush v0, $0x6  }
0x1f: {  	s6 =	sadd.s32 $0xC00, s4;
	(v2sf) =	vpush v0, $0x5  }
0x20: {  	s4 =	simm.s32 $0x80;
	s5 =	simm.s32 $0x1;
	s7 =	sadd.s32 $0xFFFFFFFF, s31;
	(v2sf) =	vpush v0, $0x0  }
.LBB2_2:
0x21: {  	(v2sf) =	vpush v0, $0x1  }
0x22: {  	(v2sf) =	vpush v0, $0x4  }
0x23: {  	(v2sf) =	vpush v0, $0x7  }
0x24: {  	(v2sf) =	vpush v0, $0x2;
	_ =	sdelay $0x2  }
0x25: {  	(v2sf) =	vpush v0, $0x3;
	_ =	sdelay $0x2  }
0x26: {  	s9 =	rddreg [dreg:$0x9]  }
0x27: {  	s10 =	rddreg [dreg:$0x8]  }
0x28: {  	s12 =	rddreg [dreg:$0x7]  }
0x29: {  	s13 =	rddreg [dreg:$0x6];
	s11 =	spop (v2sf)  }
0x2a: {  	s14 =	rddreg [dreg:$0x5];
	p1 =	sgt.s32 s11, $0x0;
	s15 =	spop (v2sf)  }
0x2b: {  	p2 =	sgt.s32 s15, $0x0;
	s11 =	simm.s32 @!p1 $0x0;
	s16 =	spop (v2sf)  }
0x2c: {  	p1 =	sgt.s32 s16, $0x0;
	s15 =	simm.s32 @!p2 $0x0;
	s17 =	spop (v2sf)  }
0x2d: {  	s11 =	smin.u32 s11, $0x1869F;
	s16 =	simm.s32 @!p1 $0x0;
	s18 =	spop (v2sf)  }
0x2e: {  	p1 =	sgt.s32 s17, $0x0;
	s16 =	smin.u32 s16, $0x1869F;
	s19 =	spop (v2sf)  }
0x2f: {  	s17 =	simm.s32 @!p1 $0x0;
	s16 =	sshll.u32 s16, $0x4;
	s20 =	spop (v2sf)  }
0x30: {  	s17 =	smin.u32 s17, $0x1869F;
	s16 =	sadd.s32 s6, s16;
	p1 =	sgt.s32 s20, $0x0  }
0x31: {  	[tilespmem:s4], [sflag:$0x1] =	stream.linear.gather [hbm4b:s16+s2], $0x80, $0x38;
	[tilespmem:$0x480] =	vst v63  }
0x32: {  	s17 =	sshll.u32 s17, $0x4;
	s20 =	simm.s32 @!p1 $0x0;
	s16 =	spop (v2sf)  }
0x33: {  	p1 =	sgt.s32 s18, $0x0;
	s20 =	smin.u32 s20, $0x1869F;
	p2 =	sgt.s32 s16, $0x0  }
0x34: {  	s17 =	sadd.s32 s6, s17;
	s20 =	sshll.u32 s20, $0x4;
	s16 =	simm.s32 @!p2 $0x0  }
0x35: {  	[tilespmem:s14], [sflag:$0x1] =	stream.linear.gather [hbm4b:s17+s2], $0x80, $0x38;
	[tilespmem:$0x480] =	vst v63  }
0x36: {  	s18 =	simm.s32 @!p1 $0x0;
	s17 =	sadd.s32 s6, s20;
	s16 =	smin.u32 s16, $0x1869F  }
0x37: {  	[tilespmem:s13], [sflag:$0x1] =	stream.linear.gather [hbm4b:s17+s2], $0x80, $0x38;
	[tilespmem:$0x480] =	vst v63  }
0x38: {  	s15 =	smin.u32 s15, $0x1869F;
	s18 =	smin.u32 s18, $0x1869F;
	s20 =	sshll.u32 s16, $0x4  }
0x39: {  	p1 =	sgt.s32 s19, $0x0;
	s21 =	sshll.u32 s18, $0x4;
	s13 =	sadd.s32 s6, s20  }
0x3a: {  	[tilespmem:s12], [sflag:$0x1] =	stream.linear.gather [hbm4b:s13+s2], $0x80, $0x38;
	[tilespmem:$0x480] =	vst v63  }
0x3b: {  	s15 =	sshll.u32 s15, $0x4;
	s19 =	simm.s32 @!p1 $0x0;
	s22 =	sadd.s32 s6, s21  }
0x3c: {  	[tilespmem:s10], [sflag:$0x1] =	stream.linear.gather [hbm4b:s22+s2], $0x80, $0x38;
	[tilespmem:$0x480] =	vst v63  }
0x3d: {  	s11 =	sshll.u32 s11, $0x4;
	s23 =	sadd.s32 s6, s15;
	s24 =	smin.u32 s19, $0x1869F  }
0x3e: {  	[tilespmem:s9], [sflag:$0x1] =	stream.linear.gather [hbm4b:s23+s2], $0x80, $0x38;
	[tilespmem:$0x480] =	vst v63  }
0x3f: {  	s8 =	rddreg [dreg:$0xa];
	s25 =	sadd.s32 s6, s11;
	s26 =	sshll.u32 s24, $0x4  }
0x40: {  	[tilespmem:s8], [sflag:$0x1] =	stream.linear.gather [hbm4b:s25+s2], $0x80, $0x38;
	[tilespmem:$0x480] =	vst v63  }
0x41: {  	s28 =	rddreg [dreg:$0xb];
	s29 =	sadd.s32 s6, s26  }
0x42: {  	[tilespmem:s28], [sflag:$0x1] =	stream.linear.gather [hbm4b:s29+s2], $0x80, $0x38;
	[tilespmem:$0x480] =	vst v63  }
0x43: {  	_ =	swait.ge [sflag:s5], $0x80  }
0x44: {  	[sflag:s5] =	ssyncset.done $0x0  }
0x45: {  	[sflag:s5] =	ssyncadd.s32 $0xFFFFFF80  }
0x46: {  	_ =	swait.ge [sflag:s5], $0x80  }
0x47: {  	[sflag:s5] =	ssyncset.done $0x0  }
0x48: {  	[sflag:s5] =	ssyncadd.s32 $0xFFFFFF80  }
0x49: {  	_ =	swait.ge [sflag:s5], $0x80  }
0x4a: {  	[sflag:s5] =	ssyncset.done $0x0  }
0x4b: {  	[sflag:s5] =	ssyncadd.s32 $0xFFFFFF80  }
0x4c: {  	_ =	swait.ge [sflag:s5], $0x80  }
0x4d: {  	[sflag:s5] =	ssyncset.done $0x0  }
0x4e: {  	[sflag:s5] =	ssyncadd.s32 $0xFFFFFF80  }
0x4f: {  	_ =	swait.ge [sflag:s5], $0x80  }
0x50: {  	[sflag:s5] =	ssyncset.done $0x0  }
0x51: {  	[sflag:s5] =	ssyncadd.s32 $0xFFFFFF80  }
0x52: {  	_ =	swait.ge [sflag:s5], $0x80  }
0x53: {  	[sflag:s5] =	ssyncset.done $0x0  }
0x54: {  	[sflag:s5] =	ssyncadd.s32 $0xFFFFFF80  }
0x55: {  	_ =	swait.ge [sflag:s5], $0x80  }
0x56: {  	[sflag:s5] =	ssyncset.done $0x0  }
0x57: {  	[sflag:s5] =	ssyncadd.s32 $0xFFFFFF80  }
0x58: {  	_ =	swait.ge [sflag:s5], $0x80  }
0x59: {  	[sflag:s5] =	ssyncset.done $0x0  }
0x5a: {  	s30 =	rddreg [dreg:$0xc];
	[sflag:s5] =	ssyncadd.s32 $0xFFFFFF80  }
0x5b: {  	[hbm4b:s30+s2] =	stream.linear.scatter [tilespmem:s4], [sflag:$0x2], $0x400, $0x38;
	[tilespmem:$0x480] =	vst v63  }
0x5c: {  	_ =	swait.ge [sflag:s3], $0x400  }
0x5d: {  	[sflag:s3] =	ssyncset.done $0x0  }
0x5e: {  	s31 =	rddreg [dreg:$0x4];
	[sflag:s3] =	ssyncadd.s32 $0xFFFFFC00  }
0x5f: {  	[tilespmem:s2], [sflag:$0x2] =	stream.linear.gather [hbm4b:s31+s2], $0x8, $0x38;
	[tilespmem:$0x480] =	vst v63  }
0x60: {  	_ =	swait.ge [sflag:s3], $0x8  }
0x61: {  	[sflag:s3] =	ssyncset.done $0x0  }
0x62: {  	[sflag:s3] =	ssyncadd.s32 $0xFFFFFFF8  }
0x63: {  	v0 =	vld [tilespmem:$0x0];
	_ =	sdelay $0x1  }
0x64: {  	p0 =	sne.s32 s7, $0x1  }
.Ltmp2:
0x65: {  	_ = 	snop;
	(pc) =	sbr.rel @p0 .LBB2_2-.Ltmp2, $4  }
0x66: {  	_ = 	snop  }
0x67: {  	(v2sf) =	vpush v0, $0x6  }
0x68: {  	(v2sf) =	vpush v0, $0x5  }
0x69: {  	s7 =	sadd.s32 $0xFFFFFFFF, s7;
	(v2sf) =	vpush v0, $0x0  }
.LBB2_3:
0x6a: {  	(v2sf) =	vpush v0, $0x1  }
0x6b: {  	(v2sf) =	vpush v0, $0x4  }
0x6c: {  	(v2sf) =	vpush v0, $0x7  }
0x6d: {  	(v2sf) =	vpush v0, $0x2;
	_ =	sdelay $0x2  }
0x6e: {  	(v2sf) =	vpush v0, $0x3;
	_ =	sdelay $0x2  }
0x6f: {  	s8 =	rddreg [dreg:$0x9]  }
0x70: {  	s9 =	rddreg [dreg:$0x8]  }
0x71: {  	s10 =	rddreg [dreg:$0x7]  }
0x72: {  	s11 =	rddreg [dreg:$0x6];
	s12 =	spop (v2sf)  }
0x73: {  	s13 =	rddreg [dreg:$0x5];
	p0 =	sgt.s32 s12, $0x0;
	s14 =	spop (v2sf)  }
0x74: {  	p1 =	sgt.s32 s14, $0x0;
	s12 =	simm.s32 @!p0 $0x0;
	s15 =	spop (v2sf)  }
0x75: {  	p0 =	sgt.s32 s15, $0x0;
	s14 =	simm.s32 @!p1 $0x0;
	s16 =	spop (v2sf)  }
0x76: {  	s22 =	smin.u32 s12, $0x1869F;
	s15 =	simm.s32 @!p0 $0x0;
	s17 =	spop (v2sf)  }
0x77: {  	p0 =	sgt.s32 s16, $0x0;
	s15 =	smin.u32 s15, $0x1869F;
	s18 =	spop (v2sf)  }
0x78: {  	s16 =	simm.s32 @!p0 $0x0;
	s15 =	sshll.u32 s15, $0x4;
	s19 =	spop (v2sf)  }
0x79: {  	s16 =	smin.u32 s16, $0x1869F;
	s15 =	sadd.s32 s6, s15;
	p0 =	sgt.s32 s19, $0x0  }
0x7a: {  	[tilespmem:s4], [sflag:$0x1] =	stream.linear.gather [hbm4b:s15+s2], $0x80, $0x38;
	[tilespmem:$0x480] =	vst v63  }
0x7b: {  	s16 =	sshll.u32 s16, $0x4;
	s19 =	simm.s32 @!p0 $0x0;
	s15 =	spop (v2sf)  }
0x7c: {  	p0 =	sgt.s32 s17, $0x0;
	s19 =	smin.u32 s19, $0x1869F;
	p1 =	sgt.s32 s15, $0x0  }
0x7d: {  	s16 =	sadd.s32 s6, s16;
	s19 =	sshll.u32 s19, $0x4;
	s15 =	simm.s32 @!p1 $0x0  }
0x7e: {  	[tilespmem:s13], [sflag:$0x1] =	stream.linear.gather [hbm4b:s16+s2], $0x80, $0x38;
	[tilespmem:$0x480] =	vst v63  }
0x7f: {  	s17 =	simm.s32 @!p0 $0x0;
	s16 =	sadd.s32 s6, s19;
	s15 =	smin.u32 s15, $0x1869F  }
0x80: {  	[tilespmem:s11], [sflag:$0x1] =	stream.linear.gather [hbm4b:s16+s2], $0x80, $0x38;
	[tilespmem:$0x480] =	vst v63  }
0x81: {  	s14 =	smin.u32 s14, $0x1869F;
	s17 =	smin.u32 s17, $0x1869F;
	s19 =	sshll.u32 s15, $0x4  }
0x82: {  	p0 =	sgt.s32 s18, $0x0;
	s20 =	sshll.u32 s17, $0x4;
	s11 =	sadd.s32 s6, s19  }
0x83: {  	[tilespmem:s10], [sflag:$0x1] =	stream.linear.gather [hbm4b:s11+s2], $0x80, $0x38;
	[tilespmem:$0x480] =	vst v63  }
0x84: {  	s14 =	sshll.u32 s14, $0x4;
	s18 =	simm.s32 @!p0 $0x0;
	s21 =	sadd.s32 s6, s20  }
0x85: {  	[tilespmem:s9], [sflag:$0x1] =	stream.linear.gather [hbm4b:s21+s2], $0x80, $0x38;
	[tilespmem:$0x480] =	vst v63  }
0x86: {  	s24 =	sshll.u32 s22, $0x4;
	s23 =	sadd.s32 s6, s14;
	s25 =	smin.u32 s18, $0x1869F  }
0x87: {  	[tilespmem:s8], [sflag:$0x1] =	stream.linear.gather [hbm4b:s23+s2], $0x80, $0x38;
	[tilespmem:$0x480] =	vst v63  }
0x88: {  	s7 =	rddreg [dreg:$0xa];
	s26 =	sadd.s32 s6, s24;
	s28 =	sshll.u32 s25, $0x4  }
0x89: {  	[tilespmem:s7], [sflag:$0x1] =	stream.linear.gather [hbm4b:s26+s2], $0x80, $0x38;
	[tilespmem:$0x480] =	vst v63  }
0x8a: {  	s29 =	rddreg [dreg:$0xb];
	s30 =	sadd.s32 s6, s28  }
0x8b: {  	[tilespmem:s29], [sflag:$0x1] =	stream.linear.gather [hbm4b:s30+s2], $0x80, $0x38;
	[tilespmem:$0x480] =	vst v63  }
0x8c: {  	_ =	swait.ge [sflag:s5], $0x80  }
0x8d: {  	[sflag:s5] =	ssyncset.done $0x0  }
0x8e: {  	[sflag:s5] =	ssyncadd.s32 $0xFFFFFF80  }
0x8f: {  	_ =	swait.ge [sflag:s5], $0x80  }
0x90: {  	[sflag:s5] =	ssyncset.done $0x0  }
0x91: {  	[sflag:s5] =	ssyncadd.s32 $0xFFFFFF80  }
0x92: {  	_ =	swait.ge [sflag:s5], $0x80  }
0x93: {  	[sflag:s5] =	ssyncset.done $0x0  }
0x94: {  	[sflag:s5] =	ssyncadd.s32 $0xFFFFFF80  }
0x95: {  	_ =	swait.ge [sflag:s5], $0x80  }
0x96: {  	[sflag:s5] =	ssyncset.done $0x0  }
0x97: {  	[sflag:s5] =	ssyncadd.s32 $0xFFFFFF80  }
0x98: {  	_ =	swait.ge [sflag:s5], $0x80  }
0x99: {  	[sflag:s5] =	ssyncset.done $0x0  }
0x9a: {  	[sflag:s5] =	ssyncadd.s32 $0xFFFFFF80  }
0x9b: {  	_ =	swait.ge [sflag:s5], $0x80  }
0x9c: {  	[sflag:s5] =	ssyncset.done $0x0  }
0x9d: {  	[sflag:s5] =	ssyncadd.s32 $0xFFFFFF80  }
0x9e: {  	_ =	swait.ge [sflag:s5], $0x80  }
0x9f: {  	[sflag:s5] =	ssyncset.done $0x0  }
0xa0: {  	[sflag:s5] =	ssyncadd.s32 $0xFFFFFF80  }
0xa1: {  	_ =	swait.ge [sflag:s5], $0x80  }
0xa2: {  	[sflag:s5] =	ssyncset.done $0x0  }
0xa3: {  	s31 =	rddreg [dreg:$0xc];
	[sflag:s5] =	ssyncadd.s32 $0xFFFFFF80  }
0xa4: {  	[hbm4b:s31+s2] =	stream.linear.scatter [tilespmem:s4], [sflag:$0x2], $0x400, $0x38;
	[tilespmem:$0x480] =	vst v63  }
0xa5: {  	_ =	swait.ge [sflag:s3], $0x400  }
0xa6: {  	[sflag:s3] =	ssyncset.done $0x0  }
0xa7: {  	[sflag:s3] =	ssyncadd.s32 $0xFFFFFC00  }
.LBB2_4:
0xa8: {  	_ =	sfence.sel $0x180000  }
0xa9: {  	[bflag:$0x0] =	sbarrier.arrive $0xFFFF  }
0xaa: {  	p0 =	sne.s32 s0, $0x0;
	_ =	strace $0x90000047  }
0xab: {  	s0 =	sadd.s32 @!p0 $0x100000, s1;
	[bflag:$0x2] =	sbarrier.arrive $0xFFFF  }
0xac: {  	[sflag:s0] =	ssyncadd.tile.s32 @!p0 $0x1;
	_ =	shalt  }
.Lfunc_end2:
_tile_overlayer_lowered:
.L_overlay_start_2:
0xad: {  	(tag) =	ssettag $0x2  }
0xae: {  	s0 =	rddreg [dreg:$0x0];
	s2 =	stileid.u32  }
0xaf: {  	s1 =	rddreg [dreg:$0x1];
	p0 =	sne.s32 s2, $0x0  }
0xb0: {  	s3 =	rddreg [dreg:$0x2];
	[bflag:$0x3] =	sbarrier.arrive $0xFFFF;
	s2 =	simm.s32 @!p0 $0x1C02  }
0xb1: {  	[timem:s3], [sflag:s2] =	dma.local @!p0 [hbm:s0], s1  }
0xb2: {  	s0 =	simm.s32 @!p0 $0x2  }
0xb3: {  	_ =	swait.ge @!p0 [sflag:s0], s1  }
0xb4: {  	s1 =	ssub.s32 @!p0 $0x0, s1;
	[sflag:s0] =	ssyncset.done @!p0 $0x0  }
0xb5: {  	[sflag:s0] =	ssyncadd.s32 @!p0 s1  }
0xb6: {  	[bflag:$0x3] =	sbarrier.arrive $0xFFFF  }
0xb7: {  	_ =	shalt  }

</sc_bundles>
